<compile_context>
chip_gen: v7x
topology: tpu7x:2x2x1
jax: 0.10.2.dev20260603
libtpu: 0.0.44.dev20260713+nightly
codegen_flags: <defaults>
</compile_context>

<pallas_src>
import functools

import jax
import jax.numpy as jnp
from jax import lax
from jax.experimental import pallas as pl
from jax.experimental.pallas import tpu as pltpu, tpu_sc as plsc

_NC = 2
_NS = 16
_L = 16
_NW = _NC * _NS


def _lse_body(x_ref, lse_ref):
    x = x_ref[...]
    m = jnp.max(x, axis=1, keepdims=True)
    s = jnp.sum(jnp.exp(x - m), axis=1, keepdims=True)
    lse_ref[...] = m + jnp.log(s)


def _make_sc_main(V, BT, CH):
    PW = BT // _NW
    NCH = PW // CH
    NRV = (PW + 127) // 128
    mesh = plsc.VectorSubcoreMesh(core_axis_name="c", subcore_axis_name="s")

    NV = (CH + _L - 1) // _L

    @functools.partial(
        pl.kernel,
        out_type=(
            jax.ShapeDtypeStruct((8, BT, 128), jnp.float32),
            jax.ShapeDtypeStruct((_NW, _L), jnp.float32),
        ),
        mesh=mesh,
        compiler_params=pltpu.CompilerParams(needs_layout_passes=False),
        scratch_types=[
            pltpu.VMEM((NCH * 8, CH), jnp.int32),
            pltpu.VMEM((NRV, 128), jnp.int32),
            pltpu.VMEM((NRV, 128), jnp.int32),
            pltpu.VMEM((1024,), jnp.float32),
            pltpu.VMEM((8, CH, 128), jnp.float32),
            pltpu.VMEM((8, CH, 128), jnp.float32),
            pltpu.VMEM((_L,), jnp.float32),
            pltpu.SemaphoreType.DMA,
            pltpu.SemaphoreType.DMA,
            pltpu.SemaphoreType.DMA,
            pltpu.SemaphoreType.DMA,
        ],
    )
    def sc_main(tsw_hbm, ing_hbm, inv_hbm, tgt_hbm, lse_hbm,
                out_hbm, part_hbm,
                idxg_v, idx_v, tgt_v, lse_v, rows_a, rows_b, part_v,
                gsa, gsb, wsa, wsb):
        wid = lax.axis_index("s") * _NC + lax.axis_index("c")
        base = wid * PW
        pltpu.sync_copy(ing_hbm.at[wid], idxg_v)
        pltpu.sync_copy(inv_hbm.at[wid], idx_v)
        pltpu.sync_copy(tgt_hbm.at[wid], tgt_v)
        pltpu.sync_copy(lse_hbm, lse_v)

        def lse_step(s, acc):
            p = s * _L + lax.iota(jnp.int32, _L)
            iv = plsc.load_gather(idx_v, [p >> 7, p & 127])
            return acc + plsc.load_gather(lse_v, [iv])

        acc = lax.fori_loop(0, PW // _L, lse_step, jnp.zeros((_L,), jnp.float32))

        def picks(g, rows_v, acc):
            for h in range(NV):
                jvec = h * _L + lax.iota(jnp.int32, _L)
                m = jvec < CH
                jc = jnp.minimum(jvec, CH - 1)
                p = jnp.minimum(g * CH + jvec, PW - 1)
                tv = plsc.load_gather(tgt_v, [p >> 7, p & 127])
                pick = plsc.load_gather(rows_v, [tv >> 7, jc, tv & 127], mask=m)
                acc = acc - jnp.where(m, pick, jnp.zeros((_L,), jnp.float32))
            return acc

        def gather(g, rows_v, sem):
            for sp in range(8):
                pltpu.async_copy(
                    tsw_hbm.at[idxg_v.at[g * 8 + sp]], rows_v.at[sp], sem)

        def gwait(rows_v, sem):
            for sp in range(8):
                pltpu.make_async_copy(
                    tsw_hbm.at[idxg_v.at[sp]], rows_v.at[sp], sem).wait()

        def wstart(g, rows_v, sem):
            pltpu.async_copy(
                rows_v, out_hbm.at[:, pl.ds(base + g * CH, CH), :], sem)

        def wwait(rows_v, sem):
            pltpu.make_async_copy(
                rows_v, out_hbm.at[:, pl.ds(base, CH), :], sem).wait()

        gather(0, rows_a, gsa)

        def pair_step(i, acc):
            a = 2 * i
            gather(a + 1, rows_b, gsb)
            gwait(rows_a, gsa)
            acc = picks(a, rows_a, acc)
            wstart(a, rows_a, wsa)

            @pl.when(i < NCH // 2 - 1)
            def _():
                wwait(rows_a, wsa)
                gather(a + 2, rows_a, gsa)

            gwait(rows_b, gsb)
            acc = picks(a + 1, rows_b, acc)
            wstart(a + 1, rows_b, wsb)

            @pl.when(i < NCH // 2 - 1)
            def _():
                wwait(rows_b, wsb)

            return acc

        acc = lax.fori_loop(0, NCH // 2, pair_step, acc)
        wwait(rows_a, wsa)
        wwait(rows_b, wsb)

        part_v[...] = acc
        pltpu.sync_copy(part_v, part_hbm.at[wid])

    return sc_main


def _make_relayout(V, B, T, NB):
    def body(x_ref, o_ref):
        x = x_ref[...].reshape(NB * T, 1024)
        o_ref[...] = x[:, :V].reshape(NB, T, V)

    return pl.pallas_call(
        body,
        grid=(B // NB,),
        in_specs=[pl.BlockSpec((NB * T, 8, 128), lambda i: (i, 0, 0))],
        out_specs=pl.BlockSpec((NB, T, V), lambda i: (i, 0, 0)),
        out_shape=jax.ShapeDtypeStruct((B, T, V), jnp.float32),
        compiler_params=pltpu.CompilerParams(
            dimension_semantics=("arbitrary",),
        ),
    )


def _make_transpose(V, B, T):
    def body(x_ref, o_ref):
        x = x_ref[...].reshape(128, T, 128)
        o_ref[...] = jnp.transpose(x, (1, 2, 0))

    return pl.pallas_call(
        body,
        grid=(B // 128, 8),
        in_specs=[pl.BlockSpec((1, 128 * T, 128), lambda i, j: (j, i, 0))],
        out_specs=pl.BlockSpec((T, 128, 128), lambda i, j: (0, j, i)),
        out_shape=jax.ShapeDtypeStruct((T, V, B), jnp.float32),
        compiler_params=pltpu.CompilerParams(
            dimension_semantics=("arbitrary", "arbitrary"),
        ),
    )


def kernel(table, inputs, targets):
    V = table.shape[0]
    B, T = inputs.shape
    BT = B * T
    PW = BT // _NW
    NRV = (PW + 127) // 128
    tsw = jnp.pad(table, ((0, 0), (0, 1024 - V)))
    tsw2 = tsw.reshape(V, 8, 128).transpose(1, 0, 2).reshape(8 * V, 128)

    CH = 40
    in_w = inputs.astype(jnp.int32).reshape(_NW, PW)
    tg_w = targets.astype(jnp.int32).reshape(_NW, PW)
    in_g = (in_w.reshape(_NW, PW // CH, 1, CH)
            + (jnp.arange(8, dtype=jnp.int32) * V)[None, None, :, None]
            ).reshape(_NW, (PW // CH) * 8, CH)
    pad = NRV * 128 - PW
    in_v = jnp.pad(in_w, ((0, 0), (0, pad))).reshape(_NW, NRV, 128)
    tg_v = jnp.pad(tg_w, ((0, 0), (0, pad))).reshape(_NW, NRV, 128)

    lse = pl.pallas_call(
        _lse_body,
        out_shape=jax.ShapeDtypeStruct((V, 1), jnp.float32),
    )(table)
    lse_pad = jnp.pad(lse.reshape(V), (0, 1024 - V))

    staging, parts = _make_sc_main(V, BT, CH)(tsw2, in_g, in_v, tg_v, lse_pad)
    logits = jnp.transpose(_make_transpose(V, B, T)(staging), (2, 0, 1))
    loss = jnp.sum(parts / BT)
    return logits, loss

# --- scband reference (transcript-rebuilt; emitter-appended) ---
"""Pipeline reference for scband-bigram-language-model-5866925326788 (READ-ONLY COPY).

The authoritative reference and input builder live on the scoring server;
editing this copy changes nothing except your own understanding.
"""

import jax, jax.numpy as jnp
import numpy as np

VOCAB = 1000
B, T = 1024, 50

def setup_inputs(seed: int = 0) -> dict:
    key = jax.random.key(seed)
    k1, k2, k3 = jax.random.split(key, 3)
    inputs = jax.random.randint(k1, (B, T), 0, VOCAB, dtype=jnp.int64 if jax.config.jax_enable_x64 else jnp.int32)
    targets = jax.random.randint(k2, (B, T), 0, VOCAB, dtype=jnp.int64 if jax.config.jax_enable_x64 else jnp.int32)
    # learned parameter: nn.Embedding(vocab_size, vocab_size) weight, N(0,1) init like torch
    table = jax.random.normal(k3, (VOCAB, VOCAB), dtype=jnp.float32)
    return {"table": table, "inputs": inputs, "targets": targets}

def reference(table, inputs, targets):
    # logits = self.embed(inputs): gather rows of the bigram table
    logits = jnp.take(table, inputs, axis=0)  # (B, T, C)
    Bc, Tc, C = logits.shape
    # F.cross_entropy(logits.view(B*T, C), targets.view(B*T)) with mean reduction
    flat_logits = logits.reshape(Bc * Tc, C)
    flat_targets = targets.reshape(Bc * Tc)
    logp = jax.nn.log_softmax(flat_logits, axis=-1)
    nll = -jnp.take_along_axis(logp, flat_targets[:, None], axis=1)[:, 0]
    loss = jnp.mean(nll)
    return (logits, loss)

if __name__ == "__main__":
    import jax
    _d = setup_inputs()
    print(jax.jit(kernel)(*tuple(_d.values())))

</pallas_src>

<mosaic_0001>
#map = affine_map<(d0, d1) -> (0, 0)>
#map1 = affine_map<(d0, d1) -> (0, 0, 0)>
#map2 = affine_map<(d0, d1) -> (0)>
module attributes {stable_mosaic.version = 14 : i64} {
  func.func @sc_main(%arg0: i32, %arg1: i32, %arg2: memref<8000x128xf32, #tpu.memory_space<hbm>>, %arg3: memref<32x320x40xi32, #tpu.memory_space<hbm>>, %arg4: memref<32x13x128xi32, #tpu.memory_space<hbm>>, %arg5: memref<32x13x128xi32, #tpu.memory_space<hbm>>, %arg6: memref<1024xf32, #tpu.memory_space<hbm>>, %arg7: memref<8x51200x128xf32, #tpu.memory_space<hbm>>, %arg8: memref<32x16xf32, #tpu.memory_space<hbm>>, %arg9: memref<320x40xi32, #tpu.memory_space<vmem>>, %arg10: memref<13x128xi32, #tpu.memory_space<vmem>>, %arg11: memref<13x128xi32, #tpu.memory_space<vmem>>, %arg12: memref<1024xf32, #tpu.memory_space<vmem>>, %arg13: memref<8x40x128xf32, #tpu.memory_space<vmem>>, %arg14: memref<8x40x128xf32, #tpu.memory_space<vmem>>, %arg15: memref<16xf32, #tpu.memory_space<vmem>>, %arg16: memref<!tpu.dma_semaphore, #tpu.memory_space<semaphore_mem>>, %arg17: memref<!tpu.dma_semaphore, #tpu.memory_space<semaphore_mem>>, %arg18: memref<!tpu.dma_semaphore, #tpu.memory_space<semaphore_mem>>, %arg19: memref<!tpu.dma_semaphore, #tpu.memory_space<semaphore_mem>>) attributes {dimension_semantics = [#tpu.dimension_semantics<core_parallel>, #tpu.dimension_semantics<subcore_parallel>], iteration_bounds = array<i64: 2, 16>, scalar_prefetch = 0 : i64, scratch_operands = 11 : i64, tpu.core_type = #tpu.core_type<sc_vector_subcore>, window_params = [{transform_indices = #map}, {transform_indices = #map1}, {transform_indices = #map1}, {transform_indices = #map1}, {transform_indices = #map2}, {transform_indices = #map1}, {transform_indices = #map}]} {
    %mul3A = arith.constant 2 : i32
    %mul3A_0 = arith.muli %arg1, %mul3A : i32
    %add3A = arith.addi %mul3A_0, %arg0 : i32
    %mul3A_1 = arith.constant 1600 : i32
    %mul3A_2 = arith.muli %add3A, %mul3A_1 : i32
    "tpu.region"() ({
      %run_scoped3A = tpu.sem_alloc : memref<!tpu.dma_semaphore, #tpu.memory_space<semaphore_mem>>
      %dma_start3A_122 = arith.constant 0 : i32
      %dma_start3A_123 = arith.constant 0 : i32
      %dma_start3A_124 = tpu.memref_slice %arg3[%add3A, %dma_start3A_122, %dma_start3A_123] : memref<32x320x40xi32, #tpu.memory_space<hbm>> -> memref<1x320x40xi32, #tpu.memory_space<hbm>>
      %dma_start3A_125 = tpu.memref_squeeze %dma_start3A_124 : memref<1x320x40xi32, #tpu.memory_space<hbm>> -> memref<320x40xi32, #tpu.memory_space<hbm>>
      %dma_start3A_126 = arith.constant 0 : i32
      %dma_start3A_127 = arith.constant 0 : i32
      %dma_start3A_128 = tpu.memref_slice %arg3[%add3A, %dma_start3A_126, %dma_start3A_127] : memref<32x320x40xi32, #tpu.memory_space<hbm>> -> memref<1x320x40xi32, #tpu.memory_space<hbm>>
      %dma_start3A_129 = tpu.memref_squeeze %dma_start3A_128 : memref<1x320x40xi32, #tpu.memory_space<hbm>> -> memref<320x40xi32, #tpu.memory_space<hbm>>
      tpu.enqueue_dma source(%dma_start3A_129 : memref<320x40xi32, #tpu.memory_space<hbm>>) target(%arg9 : memref<320x40xi32, #tpu.memory_space<vmem>>) target_semaphore(%run_scoped3A : memref<!tpu.dma_semaphore, #tpu.memory_space<semaphore_mem>>)
      %dma_wait3A_130 = arith.constant 0 : i32
      %dma_wait3A_131 = arith.constant 0 : i32
      %dma_wait3A_132 = tpu.memref_slice %arg3[%add3A, %dma_wait3A_130, %dma_wait3A_131] : memref<32x320x40xi32, #tpu.memory_space<hbm>> -> memref<1x320x40xi32, #tpu.memory_space<hbm>>
      %dma_wait3A_133 = tpu.memref_squeeze %dma_wait3A_132 : memref<1x320x40xi32, #tpu.memory_space<hbm>> -> memref<320x40xi32, #tpu.memory_space<hbm>>
      %dma_wait3A_134 = arith.constant 0 : i32
      %dma_wait3A_135 = arith.constant 0 : i32
      %dma_wait3A_136 = tpu.memref_slice %arg3[%add3A, %dma_wait3A_134, %dma_wait3A_135] : memref<32x320x40xi32, #tpu.memory_space<hbm>> -> memref<1x320x40xi32, #tpu.memory_space<hbm>>
      %dma_wait3A_137 = tpu.memref_squeeze %dma_wait3A_136 : memref<1x320x40xi32, #tpu.memory_space<hbm>> -> memref<320x40xi32, #tpu.memory_space<hbm>>
      tpu.wait_dma2 semaphore(%run_scoped3A : memref<!tpu.dma_semaphore, #tpu.memory_space<semaphore_mem>>) src(%dma_wait3A_137 : memref<320x40xi32, #tpu.memory_space<hbm>>) dst(%arg9 : memref<320x40xi32, #tpu.memory_space<vmem>>)
      tpu.yield
    }) : () -> ()
    "tpu.region"() ({
      %run_scoped3A = tpu.sem_alloc : memref<!tpu.dma_semaphore, #tpu.memory_space<semaphore_mem>>
      %dma_start3A_122 = arith.constant 0 : i32
      %dma_start3A_123 = arith.constant 0 : i32
      %dma_start3A_124 = tpu.memref_slice %arg4[%add3A, %dma_start3A_122, %dma_start3A_123] : memref<32x13x128xi32, #tpu.memory_space<hbm>> -> memref<1x13x128xi32, #tpu.memory_space<hbm>>
      %dma_start3A_125 = tpu.memref_squeeze %dma_start3A_124 : memref<1x13x128xi32, #tpu.memory_space<hbm>> -> memref<13x128xi32, #tpu.memory_space<hbm>>
      %dma_start3A_126 = arith.constant 0 : i32
      %dma_start3A_127 = arith.constant 0 : i32
      %dma_start3A_128 = tpu.memref_slice %arg4[%add3A, %dma_start3A_126, %dma_start3A_127] : memref<32x13x128xi32, #tpu.memory_space<hbm>> -> memref<1x13x128xi32, #tpu.memory_space<hbm>>
      %dma_start3A_129 = tpu.memref_squeeze %dma_start3A_128 : memref<1x13x128xi32, #tpu.memory_space<hbm>> -> memref<13x128xi32, #tpu.memory_space<hbm>>
      tpu.enqueue_dma source(%dma_start3A_129 : memref<13x128xi32, #tpu.memory_space<hbm>>) target(%arg10 : memref<13x128xi32, #tpu.memory_space<vmem>>) target_semaphore(%run_scoped3A : memref<!tpu.dma_semaphore, #tpu.memory_space<semaphore_mem>>)
      %dma_wait3A_130 = arith.constant 0 : i32
      %dma_wait3A_131 = arith.constant 0 : i32
      %dma_wait3A_132 = tpu.memref_slice %arg4[%add3A, %dma_wait3A_130, %dma_wait3A_131] : memref<32x13x128xi32, #tpu.memory_space<hbm>> -> memref<1x13x128xi32, #tpu.memory_space<hbm>>
      %dma_wait3A_133 = tpu.memref_squeeze %dma_wait3A_132 : memref<1x13x128xi32, #tpu.memory_space<hbm>> -> memref<13x128xi32, #tpu.memory_space<hbm>>
      %dma_wait3A_134 = arith.constant 0 : i32
      %dma_wait3A_135 = arith.constant 0 : i32
      %dma_wait3A_136 = tpu.memref_slice %arg4[%add3A, %dma_wait3A_134, %dma_wait3A_135] : memref<32x13x128xi32, #tpu.memory_space<hbm>> -> memref<1x13x128xi32, #tpu.memory_space<hbm>>
      %dma_wait3A_137 = tpu.memref_squeeze %dma_wait3A_136 : memref<1x13x128xi32, #tpu.memory_space<hbm>> -> memref<13x128xi32, #tpu.memory_space<hbm>>
      tpu.wait_dma2 semaphore(%run_scoped3A : memref<!tpu.dma_semaphore, #tpu.memory_space<semaphore_mem>>) src(%dma_wait3A_137 : memref<13x128xi32, #tpu.memory_space<hbm>>) dst(%arg10 : memref<13x128xi32, #tpu.memory_space<vmem>>)
      tpu.yield
    }) : () -> ()
    "tpu.region"() ({
      %run_scoped3A = tpu.sem_alloc : memref<!tpu.dma_semaphore, #tpu.memory_space<semaphore_mem>>
      %dma_start3A_122 = arith.constant 0 : i32
      %dma_start3A_123 = arith.constant 0 : i32
      %dma_start3A_124 = tpu.memref_slice %arg5[%add3A, %dma_start3A_122, %dma_start3A_123] : memref<32x13x128xi32, #tpu.memory_space<hbm>> -> memref<1x13x128xi32, #tpu.memory_space<hbm>>
      %dma_start3A_125 = tpu.memref_squeeze %dma_start3A_124 : memref<1x13x128xi32, #tpu.memory_space<hbm>> -> memref<13x128xi32, #tpu.memory_space<hbm>>
      %dma_start3A_126 = arith.constant 0 : i32
      %dma_start3A_127 = arith.constant 0 : i32
      %dma_start3A_128 = tpu.memref_slice %arg5[%add3A, %dma_start3A_126, %dma_start3A_127] : memref<32x13x128xi32, #tpu.memory_space<hbm>> -> memref<1x13x128xi32, #tpu.memory_space<hbm>>
      %dma_start3A_129 = tpu.memref_squeeze %dma_start3A_128 : memref<1x13x128xi32, #tpu.memory_space<hbm>> -> memref<13x128xi32, #tpu.memory_space<hbm>>
      tpu.enqueue_dma source(%dma_start3A_129 : memref<13x128xi32, #tpu.memory_space<hbm>>) target(%arg11 : memref<13x128xi32, #tpu.memory_space<vmem>>) target_semaphore(%run_scoped3A : memref<!tpu.dma_semaphore, #tpu.memory_space<semaphore_mem>>)
      %dma_wait3A_130 = arith.constant 0 : i32
      %dma_wait3A_131 = arith.constant 0 : i32
      %dma_wait3A_132 = tpu.memref_slice %arg5[%add3A, %dma_wait3A_130, %dma_wait3A_131] : memref<32x13x128xi32, #tpu.memory_space<hbm>> -> memref<1x13x128xi32, #tpu.memory_space<hbm>>
      %dma_wait3A_133 = tpu.memref_squeeze %dma_wait3A_132 : memref<1x13x128xi32, #tpu.memory_space<hbm>> -> memref<13x128xi32, #tpu.memory_space<hbm>>
      %dma_wait3A_134 = arith.constant 0 : i32
      %dma_wait3A_135 = arith.constant 0 : i32
      %dma_wait3A_136 = tpu.memref_slice %arg5[%add3A, %dma_wait3A_134, %dma_wait3A_135] : memref<32x13x128xi32, #tpu.memory_space<hbm>> -> memref<1x13x128xi32, #tpu.memory_space<hbm>>
      %dma_wait3A_137 = tpu.memref_squeeze %dma_wait3A_136 : memref<1x13x128xi32, #tpu.memory_space<hbm>> -> memref<13x128xi32, #tpu.memory_space<hbm>>
      tpu.wait_dma2 semaphore(%run_scoped3A : memref<!tpu.dma_semaphore, #tpu.memory_space<semaphore_mem>>) src(%dma_wait3A_137 : memref<13x128xi32, #tpu.memory_space<hbm>>) dst(%arg11 : memref<13x128xi32, #tpu.memory_space<vmem>>)
      tpu.yield
    }) : () -> ()
    "tpu.region"() ({
      %run_scoped3A = tpu.sem_alloc : memref<!tpu.dma_semaphore, #tpu.memory_space<semaphore_mem>>
      tpu.enqueue_dma source(%arg6 : memref<1024xf32, #tpu.memory_space<hbm>>) target(%arg12 : memref<1024xf32, #tpu.memory_space<vmem>>) target_semaphore(%run_scoped3A : memref<!tpu.dma_semaphore, #tpu.memory_space<semaphore_mem>>)
      tpu.wait_dma2 semaphore(%run_scoped3A : memref<!tpu.dma_semaphore, #tpu.memory_space<semaphore_mem>>) src(%arg6 : memref<1024xf32, #tpu.memory_space<hbm>>) dst(%arg12 : memref<1024xf32, #tpu.memory_space<vmem>>)
      tpu.yield
    }) : () -> ()
    %broadcast_in_dim3A = arith.constant 0.000000e+00 : f32
    %broadcast_in_dim3A_3 = vector.broadcast %broadcast_in_dim3A : f32 to vector<16xf32>
    %scan3A = arith.constant 0 : i32
    %scan3A_4 = arith.constant 100 : i32
    %scan3A_5 = arith.addi %scan3A, %scan3A_4 : i32
    %scan3A_6 = arith.constant 1 : i32
    %scan3A_7 = scf.for %scan3A_122 = %scan3A to %scan3A_5 step %scan3A_6 iter_args(%scan3A_123 = %broadcast_in_dim3A_3) -> (vector<16xf32>)  : i32 {
      %mul3A_124 = arith.constant 16 : i32
      %mul3A_125 = arith.muli %scan3A_122, %mul3A_124 : i32
      %iota3A = tpu.iota {dimensions = array<i32: 0>} : vector<16xi32>
      %add3A_126 = vector.broadcast %mul3A_125 : i32 to vector<16xi32>
      %add3A_127 = arith.addi %add3A_126, %iota3A : vector<16xi32>
      %shift_right_arithmetic3A = arith.constant 7 : i32
      %shift_right_arithmetic3A_128 = vector.broadcast %shift_right_arithmetic3A : i32 to vector<16xi32>
      %shift_right_arithmetic3A_129 = arith.shrsi %add3A_127, %shift_right_arithmetic3A_128 : vector<16xi32>
      %and3A = arith.constant 127 : i32
      %and3A_130 = vector.broadcast %and3A : i32 to vector<16xi32>
      %and3A_131 = arith.andi %add3A_127, %and3A_130 : vector<16xi32>
      %gather3A = tpu.vector_load_idx %arg10[%shift_right_arithmetic3A_129, %and3A_131] : memref<13x128xi32, #tpu.memory_space<vmem>>[vector<16xi32>, vector<16xi32>], vector<16xi32>,
      %gather3A_132 = tpu.vector_load_idx %arg12[%gather3A] : memref<1024xf32, #tpu.memory_space<vmem>>[vector<16xi32>], vector<16xf32>,
      %add3A_133 = arith.addf %scan3A_123, %gather3A_132 : vector<16xf32>
      scf.yield %add3A_133 : vector<16xf32>
    }
    %scan3A_8 = arith.constant 100 : i32
    %dma_start3A = arith.constant 0 : i32
    %dma_start3A_9 = arith.constant 0 : i32
    %dma_start3A_10 = arith.constant 0 : i32
    %dma_start3A_11 = arith.constant 0 : i32
    %dma_start3A_12 = tpu.memref_slice %arg13[%dma_start3A_9, %dma_start3A_10, %dma_start3A_11] : memref<8x40x128xf32, #tpu.memory_space<vmem>> -> memref<1x40x128xf32, #tpu.memory_space<vmem>>
    %dma_start3A_13 = tpu.memref_squeeze %dma_start3A_12 : memref<1x40x128xf32, #tpu.memory_space<vmem>> -> memref<40x128xf32, #tpu.memory_space<vmem>>
    %dma_start3A_14 = arith.constant 0 : i32
    %dma_start3A_15 = tpu.memref_slice %arg9[%dma_start3A, %dma_start3A_14] : memref<320x40xi32, #tpu.memory_space<vmem>> -> memref<1x40xi32, #tpu.memory_space<vmem>>
    %dma_start3A_16 = tpu.memref_squeeze %dma_start3A_15 : memref<1x40xi32, #tpu.memory_space<vmem>> -> memref<40xi32, #tpu.memory_space<vmem>>
    %dma_start3A_17 = arith.constant 0 : i32
    %dma_start3A_18 = arith.constant 0 : i32
    %dma_start3A_19 = tpu.memref_slice %arg2[%dma_start3A_17, %dma_start3A_18] : memref<8000x128xf32, #tpu.memory_space<hbm>> -> memref<8000x128xf32, #tpu.memory_space<hbm>>
    tpu.enqueue_indirect_dma source(%dma_start3A_19 : memref<8000x128xf32, #tpu.memory_space<hbm>>) target(%dma_start3A_13 : memref<40x128xf32, #tpu.memory_space<vmem>>) offsets(%dma_start3A_16 : memref<40xi32, #tpu.memory_space<vmem>>) semaphore(%arg16 : memref<!tpu.dma_semaphore, #tpu.memory_space<semaphore_mem>>)
    %dma_start3A_20 = arith.constant 1 : i32
    %dma_start3A_21 = arith.constant 1 : i32
    %dma_start3A_22 = arith.constant 0 : i32
    %dma_start3A_23 = arith.constant 0 : i32
    %dma_start3A_24 = tpu.memref_slice %arg13[%dma_start3A_21, %dma_start3A_22, %dma_start3A_23] : memref<8x40x128xf32, #tpu.memory_space<vmem>> -> memref<1x40x128xf32, #tpu.memory_space<vmem>>
    %dma_start3A_25 = tpu.memref_squeeze %dma_start3A_24 : memref<1x40x128xf32, #tpu.memory_space<vmem>> -> memref<40x128xf32, #tpu.memory_space<vmem>>
    %dma_start3A_26 = arith.constant 0 : i32
    %dma_start3A_27 = tpu.memref_slice %arg9[%dma_start3A_20, %dma_start3A_26] : memref<320x40xi32, #tpu.memory_space<vmem>> -> memref<1x40xi32, #tpu.memory_space<vmem>>
    %dma_start3A_28 = tpu.memref_squeeze %dma_start3A_27 : memref<1x40xi32, #tpu.memory_space<vmem>> -> memref<40xi32, #tpu.memory_space<vmem>>
    %dma_start3A_29 = arith.constant 0 : i32
    %dma_start3A_30 = arith.constant 0 : i32
    %dma_start3A_31 = tpu.memref_slice %arg2[%dma_start3A_29, %dma_start3A_30] : memref<8000x128xf32, #tpu.memory_space<hbm>> -> memref<8000x128xf32, #tpu.memory_space<hbm>>
    tpu.enqueue_indirect_dma source(%dma_start3A_31 : memref<8000x128xf32, #tpu.memory_space<hbm>>) target(%dma_start3A_25 : memref<40x128xf32, #tpu.memory_space<vmem>>) offsets(%dma_start3A_28 : memref<40xi32, #tpu.memory_space<vmem>>) semaphore(%arg16 : memref<!tpu.dma_semaphore, #tpu.memory_space<semaphore_mem>>)
    %dma_start3A_32 = arith.constant 2 : i32
    %dma_start3A_33 = arith.constant 2 : i32
    %dma_start3A_34 = arith.constant 0 : i32
    %dma_start3A_35 = arith.constant 0 : i32
    %dma_start3A_36 = tpu.memref_slice %arg13[%dma_start3A_33, %dma_start3A_34, %dma_start3A_35] : memref<8x40x128xf32, #tpu.memory_space<vmem>> -> memref<1x40x128xf32, #tpu.memory_space<vmem>>
    %dma_start3A_37 = tpu.memref_squeeze %dma_start3A_36 : memref<1x40x128xf32, #tpu.memory_space<vmem>> -> memref<40x128xf32, #tpu.memory_space<vmem>>
    %dma_start3A_38 = arith.constant 0 : i32
    %dma_start3A_39 = tpu.memref_slice %arg9[%dma_start3A_32, %dma_start3A_38] : memref<320x40xi32, #tpu.memory_space<vmem>> -> memref<1x40xi32, #tpu.memory_space<vmem>>
    %dma_start3A_40 = tpu.memref_squeeze %dma_start3A_39 : memref<1x40xi32, #tpu.memory_space<vmem>> -> memref<40xi32, #tpu.memory_space<vmem>>
    %dma_start3A_41 = arith.constant 0 : i32
    %dma_start3A_42 = arith.constant 0 : i32
    %dma_start3A_43 = tpu.memref_slice %arg2[%dma_start3A_41, %dma_start3A_42] : memref<8000x128xf32, #tpu.memory_space<hbm>> -> memref<8000x128xf32, #tpu.memory_space<hbm>>
    tpu.enqueue_indirect_dma source(%dma_start3A_43 : memref<8000x128xf32, #tpu.memory_space<hbm>>) target(%dma_start3A_37 : memref<40x128xf32, #tpu.memory_space<vmem>>) offsets(%dma_start3A_40 : memref<40xi32, #tpu.memory_space<vmem>>) semaphore(%arg16 : memref<!tpu.dma_semaphore, #tpu.memory_space<semaphore_mem>>)
    %dma_start3A_44 = arith.constant 3 : i32
    %dma_start3A_45 = arith.constant 3 : i32
    %dma_start3A_46 = arith.constant 0 : i32
    %dma_start3A_47 = arith.constant 0 : i32
    %dma_start3A_48 = tpu.memref_slice %arg13[%dma_start3A_45, %dma_start3A_46, %dma_start3A_47] : memref<8x40x128xf32, #tpu.memory_space<vmem>> -> memref<1x40x128xf32, #tpu.memory_space<vmem>>
    %dma_start3A_49 = tpu.memref_squeeze %dma_start3A_48 : memref<1x40x128xf32, #tpu.memory_space<vmem>> -> memref<40x128xf32, #tpu.memory_space<vmem>>
    %dma_start3A_50 = arith.constant 0 : i32
    %dma_start3A_51 = tpu.memref_slice %arg9[%dma_start3A_44, %dma_start3A_50] : memref<320x40xi32, #tpu.memory_space<vmem>> -> memref<1x40xi32, #tpu.memory_space<vmem>>
    %dma_start3A_52 = tpu.memref_squeeze %dma_start3A_51 : memref<1x40xi32, #tpu.memory_space<vmem>> -> memref<40xi32, #tpu.memory_space<vmem>>
    %dma_start3A_53 = arith.constant 0 : i32
    %dma_start3A_54 = arith.constant 0 : i32
    %dma_start3A_55 = tpu.memref_slice %arg2[%dma_start3A_53, %dma_start3A_54] : memref<8000x128xf32, #tpu.memory_space<hbm>> -> memref<8000x128xf32, #tpu.memory_space<hbm>>
    tpu.enqueue_indirect_dma source(%dma_start3A_55 : memref<8000x128xf32, #tpu.memory_space<hbm>>) target(%dma_start3A_49 : memref<40x128xf32, #tpu.memory_space<vmem>>) offsets(%dma_start3A_52 : memref<40xi32, #tpu.memory_space<vmem>>) semaphore(%arg16 : memref<!tpu.dma_semaphore, #tpu.memory_space<semaphore_mem>>)
    %dma_start3A_56 = arith.constant 4 : i32
    %dma_start3A_57 = arith.constant 4 : i32
    %dma_start3A_58 = arith.constant 0 : i32
    %dma_start3A_59 = arith.constant 0 : i32
    %dma_start3A_60 = tpu.memref_slice %arg13[%dma_start3A_57, %dma_start3A_58, %dma_start3A_59] : memref<8x40x128xf32, #tpu.memory_space<vmem>> -> memref<1x40x128xf32, #tpu.memory_space<vmem>>
    %dma_start3A_61 = tpu.memref_squeeze %dma_start3A_60 : memref<1x40x128xf32, #tpu.memory_space<vmem>> -> memref<40x128xf32, #tpu.memory_space<vmem>>
    %dma_start3A_62 = arith.constant 0 : i32
    %dma_start3A_63 = tpu.memref_slice %arg9[%dma_start3A_56, %dma_start3A_62] : memref<320x40xi32, #tpu.memory_space<vmem>> -> memref<1x40xi32, #tpu.memory_space<vmem>>
    %dma_start3A_64 = tpu.memref_squeeze %dma_start3A_63 : memref<1x40xi32, #tpu.memory_space<vmem>> -> memref<40xi32, #tpu.memory_space<vmem>>
    %dma_start3A_65 = arith.constant 0 : i32
    %dma_start3A_66 = arith.constant 0 : i32
    %dma_start3A_67 = tpu.memref_slice %arg2[%dma_start3A_65, %dma_start3A_66] : memref<8000x128xf32, #tpu.memory_space<hbm>> -> memref<8000x128xf32, #tpu.memory_space<hbm>>
    tpu.enqueue_indirect_dma source(%dma_start3A_67 : memref<8000x128xf32, #tpu.memory_space<hbm>>) target(%dma_start3A_61 : memref<40x128xf32, #tpu.memory_space<vmem>>) offsets(%dma_start3A_64 : memref<40xi32, #tpu.memory_space<vmem>>) semaphore(%arg16 : memref<!tpu.dma_semaphore, #tpu.memory_space<semaphore_mem>>)
    %dma_start3A_68 = arith.constant 5 : i32
    %dma_start3A_69 = arith.constant 5 : i32
    %dma_start3A_70 = arith.constant 0 : i32
    %dma_start3A_71 = arith.constant 0 : i32
    %dma_start3A_72 = tpu.memref_slice %arg13[%dma_start3A_69, %dma_start3A_70, %dma_start3A_71] : memref<8x40x128xf32, #tpu.memory_space<vmem>> -> memref<1x40x128xf32, #tpu.memory_space<vmem>>
    %dma_start3A_73 = tpu.memref_squeeze %dma_start3A_72 : memref<1x40x128xf32, #tpu.memory_space<vmem>> -> memref<40x128xf32, #tpu.memory_space<vmem>>
    %dma_start3A_74 = arith.constant 0 : i32
    %dma_start3A_75 = tpu.memref_slice %arg9[%dma_start3A_68, %dma_start3A_74] : memref<320x40xi32, #tpu.memory_space<vmem>> -> memref<1x40xi32, #tpu.memory_space<vmem>>
    %dma_start3A_76 = tpu.memref_squeeze %dma_start3A_75 : memref<1x40xi32, #tpu.memory_space<vmem>> -> memref<40xi32, #tpu.memory_space<vmem>>
    %dma_start3A_77 = arith.constant 0 : i32
    %dma_start3A_78 = arith.constant 0 : i32
    %dma_start3A_79 = tpu.memref_slice %arg2[%dma_start3A_77, %dma_start3A_78] : memref<8000x128xf32, #tpu.memory_space<hbm>> -> memref<8000x128xf32, #tpu.memory_space<hbm>>
    tpu.enqueue_indirect_dma source(%dma_start3A_79 : memref<8000x128xf32, #tpu.memory_space<hbm>>) target(%dma_start3A_73 : memref<40x128xf32, #tpu.memory_space<vmem>>) offsets(%dma_start3A_76 : memref<40xi32, #tpu.memory_space<vmem>>) semaphore(%arg16 : memref<!tpu.dma_semaphore, #tpu.memory_space<semaphore_mem>>)
    %dma_start3A_80 = arith.constant 6 : i32
    %dma_start3A_81 = arith.constant 6 : i32
    %dma_start3A_82 = arith.constant 0 : i32
    %dma_start3A_83 = arith.constant 0 : i32
    %dma_start3A_84 = tpu.memref_slice %arg13[%dma_start3A_81, %dma_start3A_82, %dma_start3A_83] : memref<8x40x128xf32, #tpu.memory_space<vmem>> -> memref<1x40x128xf32, #tpu.memory_space<vmem>>
    %dma_start3A_85 = tpu.memref_squeeze %dma_start3A_84 : memref<1x40x128xf32, #tpu.memory_space<vmem>> -> memref<40x128xf32, #tpu.memory_space<vmem>>
    %dma_start3A_86 = arith.constant 0 : i32
    %dma_start3A_87 = tpu.memref_slice %arg9[%dma_start3A_80, %dma_start3A_86] : memref<320x40xi32, #tpu.memory_space<vmem>> -> memref<1x40xi32, #tpu.memory_space<vmem>>
    %dma_start3A_88 = tpu.memref_squeeze %dma_start3A_87 : memref<1x40xi32, #tpu.memory_space<vmem>> -> memref<40xi32, #tpu.memory_space<vmem>>
    %dma_start3A_89 = arith.constant 0 : i32
    %dma_start3A_90 = arith.constant 0 : i32
    %dma_start3A_91 = tpu.memref_slice %arg2[%dma_start3A_89, %dma_start3A_90] : memref<8000x128xf32, #tpu.memory_space<hbm>> -> memref<8000x128xf32, #tpu.memory_space<hbm>>
    tpu.enqueue_indirect_dma source(%dma_start3A_91 : memref<8000x128xf32, #tpu.memory_space<hbm>>) target(%dma_start3A_85 : memref<40x128xf32, #tpu.memory_space<vmem>>) offsets(%dma_start3A_88 : memref<40xi32, #tpu.memory_space<vmem>>) semaphore(%arg16 : memref<!tpu.dma_semaphore, #tpu.memory_space<semaphore_mem>>)
    %dma_start3A_92 = arith.constant 7 : i32
    %dma_start3A_93 = arith.constant 7 : i32
    %dma_start3A_94 = arith.constant 0 : i32
    %dma_start3A_95 = arith.constant 0 : i32
    %dma_start3A_96 = tpu.memref_slice %arg13[%dma_start3A_93, %dma_start3A_94, %dma_start3A_95] : memref<8x40x128xf32, #tpu.memory_space<vmem>> -> memref<1x40x128xf32, #tpu.memory_space<vmem>>
    %dma_start3A_97 = tpu.memref_squeeze %dma_start3A_96 : memref<1x40x128xf32, #tpu.memory_space<vmem>> -> memref<40x128xf32, #tpu.memory_space<vmem>>
    %dma_start3A_98 = arith.constant 0 : i32
    %dma_start3A_99 = tpu.memref_slice %arg9[%dma_start3A_92, %dma_start3A_98] : memref<320x40xi32, #tpu.memory_space<vmem>> -> memref<1x40xi32, #tpu.memory_space<vmem>>
    %dma_start3A_100 = tpu.memref_squeeze %dma_start3A_99 : memref<1x40xi32, #tpu.memory_space<vmem>> -> memref<40xi32, #tpu.memory_space<vmem>>
    %dma_start3A_101 = arith.constant 0 : i32
    %dma_start3A_102 = arith.constant 0 : i32
    %dma_start3A_103 = tpu.memref_slice %arg2[%dma_start3A_101, %dma_start3A_102] : memref<8000x128xf32, #tpu.memory_space<hbm>> -> memref<8000x128xf32, #tpu.memory_space<hbm>>
    tpu.enqueue_indirect_dma source(%dma_start3A_103 : memref<8000x128xf32, #tpu.memory_space<hbm>>) target(%dma_start3A_97 : memref<40x128xf32, #tpu.memory_space<vmem>>) offsets(%dma_start3A_100 : memref<40xi32, #tpu.memory_space<vmem>>) semaphore(%arg16 : memref<!tpu.dma_semaphore, #tpu.memory_space<semaphore_mem>>)
    %scan3A_104 = arith.constant 0 : i32
    %scan3A_105 = arith.constant 20 : i32
    %scan3A_106 = arith.addi %scan3A_104, %scan3A_105 : i32
    %scan3A_107 = arith.constant 1 : i32
    %scan3A_108 = scf.for %scan3A_122 = %scan3A_104 to %scan3A_106 step %scan3A_107 iter_args(%scan3A_123 = %scan3A_7) -> (vector<16xf32>)  : i32 {
      %mul3A_124 = arith.constant 2 : i32
      %mul3A_125 = arith.muli %mul3A_124, %scan3A_122 : i32
      %add3A_126 = arith.constant 1 : i32
      %add3A_127 = arith.addi %mul3A_125, %add3A_126 : i32
      %mul3A_128 = arith.constant 8 : i32
      %mul3A_129 = arith.muli %add3A_127, %mul3A_128 : i32
      %add3A_130 = arith.constant 0 : i32
      %add3A_131 = arith.addi %mul3A_129, %add3A_130 : i32
      %dma_start3A_132 = arith.constant 0 : i32
      %dma_start3A_133 = arith.constant 0 : i32
      %dma_start3A_134 = arith.constant 0 : i32
      %dma_start3A_135 = tpu.memref_slice %arg14[%dma_start3A_132, %dma_start3A_133, %dma_start3A_134] : memref<8x40x128xf32, #tpu.memory_space<vmem>> -> memref<1x40x128xf32, #tpu.memory_space<vmem>>
      %dma_start3A_136 = tpu.memref_squeeze %dma_start3A_135 : memref<1x40x128xf32, #tpu.memory_space<vmem>> -> memref<40x128xf32, #tpu.memory_space<vmem>>
      %dma_start3A_137 = arith.constant 0 : i32
      %dma_start3A_138 = tpu.memref_slice %arg9[%add3A_131, %dma_start3A_137] : memref<320x40xi32, #tpu.memory_space<vmem>> -> memref<1x40xi32, #tpu.memory_space<vmem>>
      %dma_start3A_139 = tpu.memref_squeeze %dma_start3A_138 : memref<1x40xi32, #tpu.memory_space<vmem>> -> memref<40xi32, #tpu.memory_space<vmem>>
      %dma_start3A_140 = arith.constant 0 : i32
      %dma_start3A_141 = arith.constant 0 : i32
      %dma_start3A_142 = tpu.memref_slice %arg2[%dma_start3A_140, %dma_start3A_141] : memref<8000x128xf32, #tpu.memory_space<hbm>> -> memref<8000x128xf32, #tpu.memory_space<hbm>>
      tpu.enqueue_indirect_dma source(%dma_start3A_142 : memref<8000x128xf32, #tpu.memory_space<hbm>>) target(%dma_start3A_136 : memref<40x128xf32, #tpu.memory_space<vmem>>) offsets(%dma_start3A_139 : memref<40xi32, #tpu.memory_space<vmem>>) semaphore(%arg17 : memref<!tpu.dma_semaphore, #tpu.memory_space<semaphore_mem>>)
      %mul3A_143 = arith.constant 8 : i32
      %mul3A_144 = arith.muli %add3A_127, %mul3A_143 : i32
      %add3A_145 = arith.constant 1 : i32
      %add3A_146 = arith.addi %mul3A_144, %add3A_145 : i32
      %dma_start3A_147 = arith.constant 1 : i32
      %dma_start3A_148 = arith.constant 0 : i32
      %dma_start3A_149 = arith.constant 0 : i32
      %dma_start3A_150 = tpu.memref_slice %arg14[%dma_start3A_147, %dma_start3A_148, %dma_start3A_149] : memref<8x40x128xf32, #tpu.memory_space<vmem>> -> memref<1x40x128xf32, #tpu.memory_space<vmem>>
      %dma_start3A_151 = tpu.memref_squeeze %dma_start3A_150 : memref<1x40x128xf32, #tpu.memory_space<vmem>> -> memref<40x128xf32, #tpu.memory_space<vmem>>
      %dma_start3A_152 = arith.constant 0 : i32
      %dma_start3A_153 = tpu.memref_slice %arg9[%add3A_146, %dma_start3A_152] : memref<320x40xi32, #tpu.memory_space<vmem>> -> memref<1x40xi32, #tpu.memory_space<vmem>>
      %dma_start3A_154 = tpu.memref_squeeze %dma_start3A_153 : memref<1x40xi32, #tpu.memory_space<vmem>> -> memref<40xi32, #tpu.memory_space<vmem>>
      %dma_start3A_155 = arith.constant 0 : i32
      %dma_start3A_156 = arith.constant 0 : i32
      %dma_start3A_157 = tpu.memref_slice %arg2[%dma_start3A_155, %dma_start3A_156] : memref<8000x128xf32, #tpu.memory_space<hbm>> -> memref<8000x128xf32, #tpu.memory_space<hbm>>
      tpu.enqueue_indirect_dma source(%dma_start3A_157 : memref<8000x128xf32, #tpu.memory_space<hbm>>) target(%dma_start3A_151 : memref<40x128xf32, #tpu.memory_space<vmem>>) offsets(%dma_start3A_154 : memref<40xi32, #tpu.memory_space<vmem>>) semaphore(%arg17 : memref<!tpu.dma_semaphore, #tpu.memory_space<semaphore_mem>>)
      %mul3A_158 = arith.constant 8 : i32
      %mul3A_159 = arith.muli %add3A_127, %mul3A_158 : i32
      %add3A_160 = arith.constant 2 : i32
      %add3A_161 = arith.addi %mul3A_159, %add3A_160 : i32
      %dma_start3A_162 = arith.constant 2 : i32
      %dma_start3A_163 = arith.constant 0 : i32
      %dma_start3A_164 = arith.constant 0 : i32
      %dma_start3A_165 = tpu.memref_slice %arg14[%dma_start3A_162, %dma_start3A_163, %dma_start3A_164] : memref<8x40x128xf32, #tpu.memory_space<vmem>> -> memref<1x40x128xf32, #tpu.memory_space<vmem>>
      %dma_start3A_166 = tpu.memref_squeeze %dma_start3A_165 : memref<1x40x128xf32, #tpu.memory_space<vmem>> -> memref<40x128xf32, #tpu.memory_space<vmem>>
      %dma_start3A_167 = arith.constant 0 : i32
      %dma_start3A_168 = tpu.memref_slice %arg9[%add3A_161, %dma_start3A_167] : memref<320x40xi32, #tpu.memory_space<vmem>> -> memref<1x40xi32, #tpu.memory_space<vmem>>
      %dma_start3A_169 = tpu.memref_squeeze %dma_start3A_168 : memref<1x40xi32, #tpu.memory_space<vmem>> -> memref<40xi32, #tpu.memory_space<vmem>>
      %dma_start3A_170 = arith.constant 0 : i32
      %dma_start3A_171 = arith.constant 0 : i32
      %dma_start3A_172 = tpu.memref_slice %arg2[%dma_start3A_170, %dma_start3A_171] : memref<8000x128xf32, #tpu.memory_space<hbm>> -> memref<8000x128xf32, #tpu.memory_space<hbm>>
      tpu.enqueue_indirect_dma source(%dma_start3A_172 : memref<8000x128xf32, #tpu.memory_space<hbm>>) target(%dma_start3A_166 : memref<40x128xf32, #tpu.memory_space<vmem>>) offsets(%dma_start3A_169 : memref<40xi32, #tpu.memory_space<vmem>>) semaphore(%arg17 : memref<!tpu.dma_semaphore, #tpu.memory_space<semaphore_mem>>)
      %mul3A_173 = arith.constant 8 : i32
      %mul3A_174 = arith.muli %add3A_127, %mul3A_173 : i32
      %add3A_175 = arith.constant 3 : i32
      %add3A_176 = arith.addi %mul3A_174, %add3A_175 : i32
      %dma_start3A_177 = arith.constant 3 : i32
      %dma_start3A_178 = arith.constant 0 : i32
      %dma_start3A_179 = arith.constant 0 : i32
      %dma_start3A_180 = tpu.memref_slice %arg14[%dma_start3A_177, %dma_start3A_178, %dma_start3A_179] : memref<8x40x128xf32, #tpu.memory_space<vmem>> -> memref<1x40x128xf32, #tpu.memory_space<vmem>>
      %dma_start3A_181 = tpu.memref_squeeze %dma_start3A_180 : memref<1x40x128xf32, #tpu.memory_space<vmem>> -> memref<40x128xf32, #tpu.memory_space<vmem>>
      %dma_start3A_182 = arith.constant 0 : i32
      %dma_start3A_183 = tpu.memref_slice %arg9[%add3A_176, %dma_start3A_182] : memref<320x40xi32, #tpu.memory_space<vmem>> -> memref<1x40xi32, #tpu.memory_space<vmem>>
      %dma_start3A_184 = tpu.memref_squeeze %dma_start3A_183 : memref<1x40xi32, #tpu.memory_space<vmem>> -> memref<40xi32, #tpu.memory_space<vmem>>
      %dma_start3A_185 = arith.constant 0 : i32
      %dma_start3A_186 = arith.constant 0 : i32
      %dma_start3A_187 = tpu.memref_slice %arg2[%dma_start3A_185, %dma_start3A_186] : memref<8000x128xf32, #tpu.memory_space<hbm>> -> memref<8000x128xf32, #tpu.memory_space<hbm>>
      tpu.enqueue_indirect_dma source(%dma_start3A_187 : memref<8000x128xf32, #tpu.memory_space<hbm>>) target(%dma_start3A_181 : memref<40x128xf32, #tpu.memory_space<vmem>>) offsets(%dma_start3A_184 : memref<40xi32, #tpu.memory_space<vmem>>) semaphore(%arg17 : memref<!tpu.dma_semaphore, #tpu.memory_space<semaphore_mem>>)
      %mul3A_188 = arith.constant 8 : i32
      %mul3A_189 = arith.muli %add3A_127, %mul3A_188 : i32
      %add3A_190 = arith.constant 4 : i32
      %add3A_191 = arith.addi %mul3A_189, %add3A_190 : i32
      %dma_start3A_192 = arith.constant 4 : i32
      %dma_start3A_193 = arith.constant 0 : i32
      %dma_start3A_194 = arith.constant 0 : i32
      %dma_start3A_195 = tpu.memref_slice %arg14[%dma_start3A_192, %dma_start3A_193, %dma_start3A_194] : memref<8x40x128xf32, #tpu.memory_space<vmem>> -> memref<1x40x128xf32, #tpu.memory_space<vmem>>
      %dma_start3A_196 = tpu.memref_squeeze %dma_start3A_195 : memref<1x40x128xf32, #tpu.memory_space<vmem>> -> memref<40x128xf32, #tpu.memory_space<vmem>>
      %dma_start3A_197 = arith.constant 0 : i32
      %dma_start3A_198 = tpu.memref_slice %arg9[%add3A_191, %dma_start3A_197] : memref<320x40xi32, #tpu.memory_space<vmem>> -> memref<1x40xi32, #tpu.memory_space<vmem>>
      %dma_start3A_199 = tpu.memref_squeeze %dma_start3A_198 : memref<1x40xi32, #tpu.memory_space<vmem>> -> memref<40xi32, #tpu.memory_space<vmem>>
      %dma_start3A_200 = arith.constant 0 : i32
      %dma_start3A_201 = arith.constant 0 : i32
      %dma_start3A_202 = tpu.memref_slice %arg2[%dma_start3A_200, %dma_start3A_201] : memref<8000x128xf32, #tpu.memory_space<hbm>> -> memref<8000x128xf32, #tpu.memory_space<hbm>>
      tpu.enqueue_indirect_dma source(%dma_start3A_202 : memref<8000x128xf32, #tpu.memory_space<hbm>>) target(%dma_start3A_196 : memref<40x128xf32, #tpu.memory_space<vmem>>) offsets(%dma_start3A_199 : memref<40xi32, #tpu.memory_space<vmem>>) semaphore(%arg17 : memref<!tpu.dma_semaphore, #tpu.memory_space<semaphore_mem>>)
      %mul3A_203 = arith.constant 8 : i32
      %mul3A_204 = arith.muli %add3A_127, %mul3A_203 : i32
      %add3A_205 = arith.constant 5 : i32
      %add3A_206 = arith.addi %mul3A_204, %add3A_205 : i32
      %dma_start3A_207 = arith.constant 5 : i32
      %dma_start3A_208 = arith.constant 0 : i32
      %dma_start3A_209 = arith.constant 0 : i32
      %dma_start3A_210 = tpu.memref_slice %arg14[%dma_start3A_207, %dma_start3A_208, %dma_start3A_209] : memref<8x40x128xf32, #tpu.memory_space<vmem>> -> memref<1x40x128xf32, #tpu.memory_space<vmem>>
      %dma_start3A_211 = tpu.memref_squeeze %dma_start3A_210 : memref<1x40x128xf32, #tpu.memory_space<vmem>> -> memref<40x128xf32, #tpu.memory_space<vmem>>
      %dma_start3A_212 = arith.constant 0 : i32
      %dma_start3A_213 = tpu.memref_slice %arg9[%add3A_206, %dma_start3A_212] : memref<320x40xi32, #tpu.memory_space<vmem>> -> memref<1x40xi32, #tpu.memory_space<vmem>>
      %dma_start3A_214 = tpu.memref_squeeze %dma_start3A_213 : memref<1x40xi32, #tpu.memory_space<vmem>> -> memref<40xi32, #tpu.memory_space<vmem>>
      %dma_start3A_215 = arith.constant 0 : i32
      %dma_start3A_216 = arith.constant 0 : i32
      %dma_start3A_217 = tpu.memref_slice %arg2[%dma_start3A_215, %dma_start3A_216] : memref<8000x128xf32, #tpu.memory_space<hbm>> -> memref<8000x128xf32, #tpu.memory_space<hbm>>
      tpu.enqueue_indirect_dma source(%dma_start3A_217 : memref<8000x128xf32, #tpu.memory_space<hbm>>) target(%dma_start3A_211 : memref<40x128xf32, #tpu.memory_space<vmem>>) offsets(%dma_start3A_214 : memref<40xi32, #tpu.memory_space<vmem>>) semaphore(%arg17 : memref<!tpu.dma_semaphore, #tpu.memory_space<semaphore_mem>>)
      %mul3A_218 = arith.constant 8 : i32
      %mul3A_219 = arith.muli %add3A_127, %mul3A_218 : i32
      %add3A_220 = arith.constant 6 : i32
      %add3A_221 = arith.addi %mul3A_219, %add3A_220 : i32
      %dma_start3A_222 = arith.constant 6 : i32
      %dma_start3A_223 = arith.constant 0 : i32
      %dma_start3A_224 = arith.constant 0 : i32
      %dma_start3A_225 = tpu.memref_slice %arg14[%dma_start3A_222, %dma_start3A_223, %dma_start3A_224] : memref<8x40x128xf32, #tpu.memory_space<vmem>> -> memref<1x40x128xf32, #tpu.memory_space<vmem>>
      %dma_start3A_226 = tpu.memref_squeeze %dma_start3A_225 : memref<1x40x128xf32, #tpu.memory_space<vmem>> -> memref<40x128xf32, #tpu.memory_space<vmem>>
      %dma_start3A_227 = arith.constant 0 : i32
      %dma_start3A_228 = tpu.memref_slice %arg9[%add3A_221, %dma_start3A_227] : memref<320x40xi32, #tpu.memory_space<vmem>> -> memref<1x40xi32, #tpu.memory_space<vmem>>
      %dma_start3A_229 = tpu.memref_squeeze %dma_start3A_228 : memref<1x40xi32, #tpu.memory_space<vmem>> -> memref<40xi32, #tpu.memory_space<vmem>>
      %dma_start3A_230 = arith.constant 0 : i32
      %dma_start3A_231 = arith.constant 0 : i32
      %dma_start3A_232 = tpu.memref_slice %arg2[%dma_start3A_230, %dma_start3A_231] : memref<8000x128xf32, #tpu.memory_space<hbm>> -> memref<8000x128xf32, #tpu.memory_space<hbm>>
      tpu.enqueue_indirect_dma source(%dma_start3A_232 : memref<8000x128xf32, #tpu.memory_space<hbm>>) target(%dma_start3A_226 : memref<40x128xf32, #tpu.memory_space<vmem>>) offsets(%dma_start3A_229 : memref<40xi32, #tpu.memory_space<vmem>>) semaphore(%arg17 : memref<!tpu.dma_semaphore, #tpu.memory_space<semaphore_mem>>)
      %mul3A_233 = arith.constant 8 : i32
      %mul3A_234 = arith.muli %add3A_127, %mul3A_233 : i32
      %add3A_235 = arith.constant 7 : i32
      %add3A_236 = arith.addi %mul3A_234, %add3A_235 : i32
      %dma_start3A_237 = arith.constant 7 : i32
      %dma_start3A_238 = arith.constant 0 : i32
      %dma_start3A_239 = arith.constant 0 : i32
      %dma_start3A_240 = tpu.memref_slice %arg14[%dma_start3A_237, %dma_start3A_238, %dma_start3A_239] : memref<8x40x128xf32, #tpu.memory_space<vmem>> -> memref<1x40x128xf32, #tpu.memory_space<vmem>>
      %dma_start3A_241 = tpu.memref_squeeze %dma_start3A_240 : memref<1x40x128xf32, #tpu.memory_space<vmem>> -> memref<40x128xf32, #tpu.memory_space<vmem>>
      %dma_start3A_242 = arith.constant 0 : i32
      %dma_start3A_243 = tpu.memref_slice %arg9[%add3A_236, %dma_start3A_242] : memref<320x40xi32, #tpu.memory_space<vmem>> -> memref<1x40xi32, #tpu.memory_space<vmem>>
      %dma_start3A_244 = tpu.memref_squeeze %dma_start3A_243 : memref<1x40xi32, #tpu.memory_space<vmem>> -> memref<40xi32, #tpu.memory_space<vmem>>
      %dma_start3A_245 = arith.constant 0 : i32
      %dma_start3A_246 = arith.constant 0 : i32
      %dma_start3A_247 = tpu.memref_slice %arg2[%dma_start3A_245, %dma_start3A_246] : memref<8000x128xf32, #tpu.memory_space<hbm>> -> memref<8000x128xf32, #tpu.memory_space<hbm>>
      tpu.enqueue_indirect_dma source(%dma_start3A_247 : memref<8000x128xf32, #tpu.memory_space<hbm>>) target(%dma_start3A_241 : memref<40x128xf32, #tpu.memory_space<vmem>>) offsets(%dma_start3A_244 : memref<40xi32, #tpu.memory_space<vmem>>) semaphore(%arg17 : memref<!tpu.dma_semaphore, #tpu.memory_space<semaphore_mem>>)
      %dma_wait3A_248 = arith.constant 0 : i32
      %dma_wait3A_249 = arith.constant 0 : i32
      %dma_wait3A_250 = arith.constant 0 : i32
      %dma_wait3A_251 = arith.constant 0 : i32
      %dma_wait3A_252 = tpu.memref_slice %arg13[%dma_wait3A_249, %dma_wait3A_250, %dma_wait3A_251] : memref<8x40x128xf32, #tpu.memory_space<vmem>> -> memref<1x40x128xf32, #tpu.memory_space<vmem>>
      %dma_wait3A_253 = tpu.memref_squeeze %dma_wait3A_252 : memref<1x40x128xf32, #tpu.memory_space<vmem>> -> memref<40x128xf32, #tpu.memory_space<vmem>>
      %dma_wait3A_254 = arith.constant 0 : i32
      %dma_wait3A_255 = tpu.memref_slice %arg9[%dma_wait3A_248, %dma_wait3A_254] : memref<320x40xi32, #tpu.memory_space<vmem>> -> memref<1x40xi32, #tpu.memory_space<vmem>>
      %dma_wait3A_256 = tpu.memref_squeeze %dma_wait3A_255 : memref<1x40xi32, #tpu.memory_space<vmem>> -> memref<40xi32, #tpu.memory_space<vmem>>
      %dma_wait3A_257 = arith.constant 0 : i32
      %dma_wait3A_258 = arith.constant 0 : i32
      %dma_wait3A_259 = tpu.memref_slice %arg2[%dma_wait3A_257, %dma_wait3A_258] : memref<8000x128xf32, #tpu.memory_space<hbm>> -> memref<8000x128xf32, #tpu.memory_space<hbm>>
      tpu.wait_indirect_dma semaphore(%arg16 : memref<!tpu.dma_semaphore, #tpu.memory_space<semaphore_mem>>) src(%dma_wait3A_259 : memref<8000x128xf32, #tpu.memory_space<hbm>>) dst(%dma_wait3A_253 : memref<40x128xf32, #tpu.memory_space<vmem>>)
      %dma_wait3A_260 = arith.constant 1 : i32
      %dma_wait3A_261 = arith.constant 1 : i32
      %dma_wait3A_262 = arith.constant 0 : i32
      %dma_wait3A_263 = arith.constant 0 : i32
      %dma_wait3A_264 = tpu.memref_slice %arg13[%dma_wait3A_261, %dma_wait3A_262, %dma_wait3A_263] : memref<8x40x128xf32, #tpu.memory_space<vmem>> -> memref<1x40x128xf32, #tpu.memory_space<vmem>>
      %dma_wait3A_265 = tpu.memref_squeeze %dma_wait3A_264 : memref<1x40x128xf32, #tpu.memory_space<vmem>> -> memref<40x128xf32, #tpu.memory_space<vmem>>
      %dma_wait3A_266 = arith.constant 0 : i32
      %dma_wait3A_267 = tpu.memref_slice %arg9[%dma_wait3A_260, %dma_wait3A_266] : memref<320x40xi32, #tpu.memory_space<vmem>> -> memref<1x40xi32, #tpu.memory_space<vmem>>
      %dma_wait3A_268 = tpu.memref_squeeze %dma_wait3A_267 : memref<1x40xi32, #tpu.memory_space<vmem>> -> memref<40xi32, #tpu.memory_space<vmem>>
      %dma_wait3A_269 = arith.constant 0 : i32
      %dma_wait3A_270 = arith.constant 0 : i32
      %dma_wait3A_271 = tpu.memref_slice %arg2[%dma_wait3A_269, %dma_wait3A_270] : memref<8000x128xf32, #tpu.memory_space<hbm>> -> memref<8000x128xf32, #tpu.memory_space<hbm>>
      tpu.wait_indirect_dma semaphore(%arg16 : memref<!tpu.dma_semaphore, #tpu.memory_space<semaphore_mem>>) src(%dma_wait3A_271 : memref<8000x128xf32, #tpu.memory_space<hbm>>) dst(%dma_wait3A_265 : memref<40x128xf32, #tpu.memory_space<vmem>>)
      %dma_wait3A_272 = arith.constant 2 : i32
      %dma_wait3A_273 = arith.constant 2 : i32
      %dma_wait3A_274 = arith.constant 0 : i32
      %dma_wait3A_275 = arith.constant 0 : i32
      %dma_wait3A_276 = tpu.memref_slice %arg13[%dma_wait3A_273, %dma_wait3A_274, %dma_wait3A_275] : memref<8x40x128xf32, #tpu.memory_space<vmem>> -> memref<1x40x128xf32, #tpu.memory_space<vmem>>
      %dma_wait3A_277 = tpu.memref_squeeze %dma_wait3A_276 : memref<1x40x128xf32, #tpu.memory_space<vmem>> -> memref<40x128xf32, #tpu.memory_space<vmem>>
      %dma_wait3A_278 = arith.constant 0 : i32
      %dma_wait3A_279 = tpu.memref_slice %arg9[%dma_wait3A_272, %dma_wait3A_278] : memref<320x40xi32, #tpu.memory_space<vmem>> -> memref<1x40xi32, #tpu.memory_space<vmem>>
      %dma_wait3A_280 = tpu.memref_squeeze %dma_wait3A_279 : memref<1x40xi32, #tpu.memory_space<vmem>> -> memref<40xi32, #tpu.memory_space<vmem>>
      %dma_wait3A_281 = arith.constant 0 : i32
      %dma_wait3A_282 = arith.constant 0 : i32
      %dma_wait3A_283 = tpu.memref_slice %arg2[%dma_wait3A_281, %dma_wait3A_282] : memref<8000x128xf32, #tpu.memory_space<hbm>> -> memref<8000x128xf32, #tpu.memory_space<hbm>>
      tpu.wait_indirect_dma semaphore(%arg16 : memref<!tpu.dma_semaphore, #tpu.memory_space<semaphore_mem>>) src(%dma_wait3A_283 : memref<8000x128xf32, #tpu.memory_space<hbm>>) dst(%dma_wait3A_277 : memref<40x128xf32, #tpu.memory_space<vmem>>)
      %dma_wait3A_284 = arith.constant 3 : i32
      %dma_wait3A_285 = arith.constant 3 : i32
      %dma_wait3A_286 = arith.constant 0 : i32
      %dma_wait3A_287 = arith.constant 0 : i32
      %dma_wait3A_288 = tpu.memref_slice %arg13[%dma_wait3A_285, %dma_wait3A_286, %dma_wait3A_287] : memref<8x40x128xf32, #tpu.memory_space<vmem>> -> memref<1x40x128xf32, #tpu.memory_space<vmem>>
      %dma_wait3A_289 = tpu.memref_squeeze %dma_wait3A_288 : memref<1x40x128xf32, #tpu.memory_space<vmem>> -> memref<40x128xf32, #tpu.memory_space<vmem>>
      %dma_wait3A_290 = arith.constant 0 : i32
      %dma_wait3A_291 = tpu.memref_slice %arg9[%dma_wait3A_284, %dma_wait3A_290] : memref<320x40xi32, #tpu.memory_space<vmem>> -> memref<1x40xi32, #tpu.memory_space<vmem>>
      %dma_wait3A_292 = tpu.memref_squeeze %dma_wait3A_291 : memref<1x40xi32, #tpu.memory_space<vmem>> -> memref<40xi32, #tpu.memory_space<vmem>>
      %dma_wait3A_293 = arith.constant 0 : i32
      %dma_wait3A_294 = arith.constant 0 : i32
      %dma_wait3A_295 = tpu.memref_slice %arg2[%dma_wait3A_293, %dma_wait3A_294] : memref<8000x128xf32, #tpu.memory_space<hbm>> -> memref<8000x128xf32, #tpu.memory_space<hbm>>
      tpu.wait_indirect_dma semaphore(%arg16 : memref<!tpu.dma_semaphore, #tpu.memory_space<semaphore_mem>>) src(%dma_wait3A_295 : memref<8000x128xf32, #tpu.memory_space<hbm>>) dst(%dma_wait3A_289 : memref<40x128xf32, #tpu.memory_space<vmem>>)
      %dma_wait3A_296 = arith.constant 4 : i32
      %dma_wait3A_297 = arith.constant 4 : i32
      %dma_wait3A_298 = arith.constant 0 : i32
      %dma_wait3A_299 = arith.constant 0 : i32
      %dma_wait3A_300 = tpu.memref_slice %arg13[%dma_wait3A_297, %dma_wait3A_298, %dma_wait3A_299] : memref<8x40x128xf32, #tpu.memory_space<vmem>> -> memref<1x40x128xf32, #tpu.memory_space<vmem>>
      %dma_wait3A_301 = tpu.memref_squeeze %dma_wait3A_300 : memref<1x40x128xf32, #tpu.memory_space<vmem>> -> memref<40x128xf32, #tpu.memory_space<vmem>>
      %dma_wait3A_302 = arith.constant 0 : i32
      %dma_wait3A_303 = tpu.memref_slice %arg9[%dma_wait3A_296, %dma_wait3A_302] : memref<320x40xi32, #tpu.memory_space<vmem>> -> memref<1x40xi32, #tpu.memory_space<vmem>>
      %dma_wait3A_304 = tpu.memref_squeeze %dma_wait3A_303 : memref<1x40xi32, #tpu.memory_space<vmem>> -> memref<40xi32, #tpu.memory_space<vmem>>
      %dma_wait3A_305 = arith.constant 0 : i32
      %dma_wait3A_306 = arith.constant 0 : i32
      %dma_wait3A_307 = tpu.memref_slice %arg2[%dma_wait3A_305, %dma_wait3A_306] : memref<8000x128xf32, #tpu.memory_space<hbm>> -> memref<8000x128xf32, #tpu.memory_space<hbm>>
      tpu.wait_indirect_dma semaphore(%arg16 : memref<!tpu.dma_semaphore, #tpu.memory_space<semaphore_mem>>) src(%dma_wait3A_307 : memref<8000x128xf32, #tpu.memory_space<hbm>>) dst(%dma_wait3A_301 : memref<40x128xf32, #tpu.memory_space<vmem>>)
      %dma_wait3A_308 = arith.constant 5 : i32
      %dma_wait3A_309 = arith.constant 5 : i32
      %dma_wait3A_310 = arith.constant 0 : i32
      %dma_wait3A_311 = arith.constant 0 : i32
      %dma_wait3A_312 = tpu.memref_slice %arg13[%dma_wait3A_309, %dma_wait3A_310, %dma_wait3A_311] : memref<8x40x128xf32, #tpu.memory_space<vmem>> -> memref<1x40x128xf32, #tpu.memory_space<vmem>>
      %dma_wait3A_313 = tpu.memref_squeeze %dma_wait3A_312 : memref<1x40x128xf32, #tpu.memory_space<vmem>> -> memref<40x128xf32, #tpu.memory_space<vmem>>
      %dma_wait3A_314 = arith.constant 0 : i32
      %dma_wait3A_315 = tpu.memref_slice %arg9[%dma_wait3A_308, %dma_wait3A_314] : memref<320x40xi32, #tpu.memory_space<vmem>> -> memref<1x40xi32, #tpu.memory_space<vmem>>
      %dma_wait3A_316 = tpu.memref_squeeze %dma_wait3A_315 : memref<1x40xi32, #tpu.memory_space<vmem>> -> memref<40xi32, #tpu.memory_space<vmem>>
      %dma_wait3A_317 = arith.constant 0 : i32
      %dma_wait3A_318 = arith.constant 0 : i32
      %dma_wait3A_319 = tpu.memref_slice %arg2[%dma_wait3A_317, %dma_wait3A_318] : memref<8000x128xf32, #tpu.memory_space<hbm>> -> memref<8000x128xf32, #tpu.memory_space<hbm>>
      tpu.wait_indirect_dma semaphore(%arg16 : memref<!tpu.dma_semaphore, #tpu.memory_space<semaphore_mem>>) src(%dma_wait3A_319 : memref<8000x128xf32, #tpu.memory_space<hbm>>) dst(%dma_wait3A_313 : memref<40x128xf32, #tpu.memory_space<vmem>>)
      %dma_wait3A_320 = arith.constant 6 : i32
      %dma_wait3A_321 = arith.constant 6 : i32
      %dma_wait3A_322 = arith.constant 0 : i32
      %dma_wait3A_323 = arith.constant 0 : i32
      %dma_wait3A_324 = tpu.memref_slice %arg13[%dma_wait3A_321, %dma_wait3A_322, %dma_wait3A_323] : memref<8x40x128xf32, #tpu.memory_space<vmem>> -> memref<1x40x128xf32, #tpu.memory_space<vmem>>
      %dma_wait3A_325 = tpu.memref_squeeze %dma_wait3A_324 : memref<1x40x128xf32, #tpu.memory_space<vmem>> -> memref<40x128xf32, #tpu.memory_space<vmem>>
      %dma_wait3A_326 = arith.constant 0 : i32
      %dma_wait3A_327 = tpu.memref_slice %arg9[%dma_wait3A_320, %dma_wait3A_326] : memref<320x40xi32, #tpu.memory_space<vmem>> -> memref<1x40xi32, #tpu.memory_space<vmem>>
      %dma_wait3A_328 = tpu.memref_squeeze %dma_wait3A_327 : memref<1x40xi32, #tpu.memory_space<vmem>> -> memref<40xi32, #tpu.memory_space<vmem>>
      %dma_wait3A_329 = arith.constant 0 : i32
      %dma_wait3A_330 = arith.constant 0 : i32
      %dma_wait3A_331 = tpu.memref_slice %arg2[%dma_wait3A_329, %dma_wait3A_330] : memref<8000x128xf32, #tpu.memory_space<hbm>> -> memref<8000x128xf32, #tpu.memory_space<hbm>>
      tpu.wait_indirect_dma semaphore(%arg16 : memref<!tpu.dma_semaphore, #tpu.memory_space<semaphore_mem>>) src(%dma_wait3A_331 : memref<8000x128xf32, #tpu.memory_space<hbm>>) dst(%dma_wait3A_325 : memref<40x128xf32, #tpu.memory_space<vmem>>)
      %dma_wait3A_332 = arith.constant 7 : i32
      %dma_wait3A_333 = arith.constant 7 : i32
      %dma_wait3A_334 = arith.constant 0 : i32
      %dma_wait3A_335 = arith.constant 0 : i32
      %dma_wait3A_336 = tpu.memref_slice %arg13[%dma_wait3A_333, %dma_wait3A_334, %dma_wait3A_335] : memref<8x40x128xf32, #tpu.memory_space<vmem>> -> memref<1x40x128xf32, #tpu.memory_space<vmem>>
      %dma_wait3A_337 = tpu.memref_squeeze %dma_wait3A_336 : memref<1x40x128xf32, #tpu.memory_space<vmem>> -> memref<40x128xf32, #tpu.memory_space<vmem>>
      %dma_wait3A_338 = arith.constant 0 : i32
      %dma_wait3A_339 = tpu.memref_slice %arg9[%dma_wait3A_332, %dma_wait3A_338] : memref<320x40xi32, #tpu.memory_space<vmem>> -> memref<1x40xi32, #tpu.memory_space<vmem>>
      %dma_wait3A_340 = tpu.memref_squeeze %dma_wait3A_339 : memref<1x40xi32, #tpu.memory_space<vmem>> -> memref<40xi32, #tpu.memory_space<vmem>>
      %dma_wait3A_341 = arith.constant 0 : i32
      %dma_wait3A_342 = arith.constant 0 : i32
      %dma_wait3A_343 = tpu.memref_slice %arg2[%dma_wait3A_341, %dma_wait3A_342] : memref<8000x128xf32, #tpu.memory_space<hbm>> -> memref<8000x128xf32, #tpu.memory_space<hbm>>
      tpu.wait_indirect_dma semaphore(%arg16 : memref<!tpu.dma_semaphore, #tpu.memory_space<semaphore_mem>>) src(%dma_wait3A_343 : memref<8000x128xf32, #tpu.memory_space<hbm>>) dst(%dma_wait3A_337 : memref<40x128xf32, #tpu.memory_space<vmem>>)
      %iota3A = tpu.iota {dimensions = array<i32: 0>} : vector<16xi32>
      %add3A_344 = arith.constant 0 : i32
      %add3A_345 = vector.broadcast %add3A_344 : i32 to vector<16xi32>
      %add3A_346 = arith.addi %add3A_345, %iota3A : vector<16xi32>
      %lt3A = arith.constant 40 : i32
      %lt3A_347 = vector.broadcast %lt3A : i32 to vector<16xi32>
      %lt3A_348 = arith.cmpi slt, %add3A_346, %lt3A_347 : vector<16xi32>
      %min3A = arith.constant 39 : i32
      %min3A_349 = vector.broadcast %min3A : i32 to vector<16xi32>
      %min3A_350 = arith.minsi %add3A_346, %min3A_349 : vector<16xi32>
      %mul3A_351 = arith.constant 40 : i32
      %mul3A_352 = arith.muli %mul3A_125, %mul3A_351 : i32
      %add3A_353 = vector.broadcast %mul3A_352 : i32 to vector<16xi32>
      %add3A_354 = arith.addi %add3A_353, %add3A_346 : vector<16xi32>
      %min3A_355 = arith.constant 1599 : i32
      %min3A_356 = vector.broadcast %min3A_355 : i32 to vector<16xi32>
      %min3A_357 = arith.minsi %add3A_354, %min3A_356 : vector<16xi32>
      %shift_right_arithmetic3A = arith.constant 7 : i32
      %shift_right_arithmetic3A_358 = vector.broadcast %shift_right_arithmetic3A : i32 to vector<16xi32>
      %shift_right_arithmetic3A_359 = arith.shrsi %min3A_357, %shift_right_arithmetic3A_358 : vector<16xi32>
      %and3A = arith.constant 127 : i32
      %and3A_360 = vector.broadcast %and3A : i32 to vector<16xi32>
      %and3A_361 = arith.andi %min3A_357, %and3A_360 : vector<16xi32>
      %gather3A = tpu.vector_load_idx %arg11[%shift_right_arithmetic3A_359, %and3A_361] : memref<13x128xi32, #tpu.memory_space<vmem>>[vector<16xi32>, vector<16xi32>], vector<16xi32>,
      %shift_right_arithmetic3A_362 = arith.constant 7 : i32
      %shift_right_arithmetic3A_363 = vector.broadcast %shift_right_arithmetic3A_362 : i32 to vector<16xi32>
      %shift_right_arithmetic3A_364 = arith.shrsi %gather3A, %shift_right_arithmetic3A_363 : vector<16xi32>
      %and3A_365 = arith.constant 127 : i32
      %and3A_366 = vector.broadcast %and3A_365 : i32 to vector<16xi32>
      %and3A_367 = arith.andi %gather3A, %and3A_366 : vector<16xi32>
      %gather3A_368 = tpu.vector_load_idx %arg13[%shift_right_arithmetic3A_364, %min3A_350, %and3A_367] masked %lt3A_348 : memref<8x40x128xf32, #tpu.memory_space<vmem>>[vector<16xi32>, vector<16xi32>, vector<16xi32>], vector<16xf32>, vector<16xi1>
      %broadcast_in_dim3A_369 = arith.constant 0.000000e+00 : f32
      %broadcast_in_dim3A_370 = vector.broadcast %broadcast_in_dim3A_369 : f32 to vector<16xf32>
      %select_n3A = arith.select %lt3A_348, %gather3A_368, %broadcast_in_dim3A_370 : vector<16xi1>, vector<16xf32>
      %sub3A = arith.subf %scan3A_123, %select_n3A : vector<16xf32>
      %iota3A_371 = tpu.iota {dimensions = array<i32: 0>} : vector<16xi32>
      %add3A_372 = arith.constant 16 : i32
      %add3A_373 = vector.broadcast %add3A_372 : i32 to vector<16xi32>
      %add3A_374 = arith.addi %add3A_373, %iota3A_371 : vector<16xi32>
      %lt3A_375 = arith.constant 40 : i32
      %lt3A_376 = vector.broadcast %lt3A_375 : i32 to vector<16xi32>
      %lt3A_377 = arith.cmpi slt, %add3A_374, %lt3A_376 : vector<16xi32>
      %min3A_378 = arith.constant 39 : i32
      %min3A_379 = vector.broadcast %min3A_378 : i32 to vector<16xi32>
      %min3A_380 = arith.minsi %add3A_374, %min3A_379 : vector<16xi32>
      %mul3A_381 = arith.constant 40 : i32
      %mul3A_382 = arith.muli %mul3A_125, %mul3A_381 : i32
      %add3A_383 = vector.broadcast %mul3A_382 : i32 to vector<16xi32>
      %add3A_384 = arith.addi %add3A_383, %add3A_374 : vector<16xi32>
      %min3A_385 = arith.constant 1599 : i32
      %min3A_386 = vector.broadcast %min3A_385 : i32 to vector<16xi32>
      %min3A_387 = arith.minsi %add3A_384, %min3A_386 : vector<16xi32>
      %shift_right_arithmetic3A_388 = arith.constant 7 : i32
      %shift_right_arithmetic3A_389 = vector.broadcast %shift_right_arithmetic3A_388 : i32 to vector<16xi32>
      %shift_right_arithmetic3A_390 = arith.shrsi %min3A_387, %shift_right_arithmetic3A_389 : vector<16xi32>
      %and3A_391 = arith.constant 127 : i32
      %and3A_392 = vector.broadcast %and3A_391 : i32 to vector<16xi32>
      %and3A_393 = arith.andi %min3A_387, %and3A_392 : vector<16xi32>
      %gather3A_394 = tpu.vector_load_idx %arg11[%shift_right_arithmetic3A_390, %and3A_393] : memref<13x128xi32, #tpu.memory_space<vmem>>[vector<16xi32>, vector<16xi32>], vector<16xi32>,
      %shift_right_arithmetic3A_395 = arith.constant 7 : i32
      %shift_right_arithmetic3A_396 = vector.broadcast %shift_right_arithmetic3A_395 : i32 to vector<16xi32>
      %shift_right_arithmetic3A_397 = arith.shrsi %gather3A_394, %shift_right_arithmetic3A_396 : vector<16xi32>
      %and3A_398 = arith.constant 127 : i32
      %and3A_399 = vector.broadcast %and3A_398 : i32 to vector<16xi32>
      %and3A_400 = arith.andi %gather3A_394, %and3A_399 : vector<16xi32>
      %gather3A_401 = tpu.vector_load_idx %arg13[%shift_right_arithmetic3A_397, %min3A_380, %and3A_400] masked %lt3A_377 : memref<8x40x128xf32, #tpu.memory_space<vmem>>[vector<16xi32>, vector<16xi32>, vector<16xi32>], vector<16xf32>, vector<16xi1>
      %broadcast_in_dim3A_402 = arith.constant 0.000000e+00 : f32
      %broadcast_in_dim3A_403 = vector.broadcast %broadcast_in_dim3A_402 : f32 to vector<16xf32>
      %select_n3A_404 = arith.select %lt3A_377, %gather3A_401, %broadcast_in_dim3A_403 : vector<16xi1>, vector<16xf32>
      %sub3A_405 = arith.subf %sub3A, %select_n3A_404 : vector<16xf32>
      %iota3A_406 = tpu.iota {dimensions = array<i32: 0>} : vector<16xi32>
      %add3A_407 = arith.constant 32 : i32
      %add3A_408 = vector.broadcast %add3A_407 : i32 to vector<16xi32>
      %add3A_409 = arith.addi %add3A_408, %iota3A_406 : vector<16xi32>
      %lt3A_410 = arith.constant 40 : i32
      %lt3A_411 = vector.broadcast %lt3A_410 : i32 to vector<16xi32>
      %lt3A_412 = arith.cmpi slt, %add3A_409, %lt3A_411 : vector<16xi32>
      %min3A_413 = arith.constant 39 : i32
      %min3A_414 = vector.broadcast %min3A_413 : i32 to vector<16xi32>
      %min3A_415 = arith.minsi %add3A_409, %min3A_414 : vector<16xi32>
      %mul3A_416 = arith.constant 40 : i32
      %mul3A_417 = arith.muli %mul3A_125, %mul3A_416 : i32
      %add3A_418 = vector.broadcast %mul3A_417 : i32 to vector<16xi32>
      %add3A_419 = arith.addi %add3A_418, %add3A_409 : vector<16xi32>
      %min3A_420 = arith.constant 1599 : i32
      %min3A_421 = vector.broadcast %min3A_420 : i32 to vector<16xi32>
      %min3A_422 = arith.minsi %add3A_419, %min3A_421 : vector<16xi32>
      %shift_right_arithmetic3A_423 = arith.constant 7 : i32
      %shift_right_arithmetic3A_424 = vector.broadcast %shift_right_arithmetic3A_423 : i32 to vector<16xi32>
      %shift_right_arithmetic3A_425 = arith.shrsi %min3A_422, %shift_right_arithmetic3A_424 : vector<16xi32>
      %and3A_426 = arith.constant 127 : i32
      %and3A_427 = vector.broadcast %and3A_426 : i32 to vector<16xi32>
      %and3A_428 = arith.andi %min3A_422, %and3A_427 : vector<16xi32>
      %gather3A_429 = tpu.vector_load_idx %arg11[%shift_right_arithmetic3A_425, %and3A_428] : memref<13x128xi32, #tpu.memory_space<vmem>>[vector<16xi32>, vector<16xi32>], vector<16xi32>,
      %shift_right_arithmetic3A_430 = arith.constant 7 : i32
      %shift_right_arithmetic3A_431 = vector.broadcast %shift_right_arithmetic3A_430 : i32 to vector<16xi32>
      %shift_right_arithmetic3A_432 = arith.shrsi %gather3A_429, %shift_right_arithmetic3A_431 : vector<16xi32>
      %and3A_433 = arith.constant 127 : i32
      %and3A_434 = vector.broadcast %and3A_433 : i32 to vector<16xi32>
      %and3A_435 = arith.andi %gather3A_429, %and3A_434 : vector<16xi32>
      %gather3A_436 = tpu.vector_load_idx %arg13[%shift_right_arithmetic3A_432, %min3A_415, %and3A_435] masked %lt3A_412 : memref<8x40x128xf32, #tpu.memory_space<vmem>>[vector<16xi32>, vector<16xi32>, vector<16xi32>], vector<16xf32>, vector<16xi1>
      %broadcast_in_dim3A_437 = arith.constant 0.000000e+00 : f32
      %broadcast_in_dim3A_438 = vector.broadcast %broadcast_in_dim3A_437 : f32 to vector<16xf32>
      %select_n3A_439 = arith.select %lt3A_412, %gather3A_436, %broadcast_in_dim3A_438 : vector<16xi1>, vector<16xf32>
      %sub3A_440 = arith.subf %sub3A_405, %select_n3A_439 : vector<16xf32>
      %mul3A_441 = arith.constant 40 : i32
      %mul3A_442 = arith.muli %mul3A_125, %mul3A_441 : i32
      %add3A_443 = arith.addi %mul3A_2, %mul3A_442 : i32
      %dma_start3A_444 = arith.constant 0 : i32
      %dma_start3A_445 = arith.constant 0 : i32
      %dma_start3A_446 = tpu.memref_slice %arg7[%dma_start3A_444, %add3A_443, %dma_start3A_445] : memref<8x51200x128xf32, #tpu.memory_space<hbm>> -> memref<8x40x128xf32, #tpu.memory_space<hbm>>
      %dma_start3A_447 = arith.constant 0 : i32
      %dma_start3A_448 = arith.constant 0 : i32
      %dma_start3A_449 = tpu.memref_slice %arg7[%dma_start3A_447, %add3A_443, %dma_start3A_448] : memref<8x51200x128xf32, #tpu.memory_space<hbm>> -> memref<8x40x128xf32, #tpu.memory_space<hbm>>
      tpu.enqueue_dma source(%arg13 : memref<8x40x128xf32, #tpu.memory_space<vmem>>) target(%dma_start3A_449 : memref<8x40x128xf32, #tpu.memory_space<hbm>>) target_semaphore(%arg18 : memref<!tpu.dma_semaphore, #tpu.memory_space<semaphore_mem>>)
      %lt3A_450 = arith.constant 19 : i32
      %lt3A_451 = arith.cmpi slt, %scan3A_122, %lt3A_450 : i32
      %convert_element_type3A = arith.extui %lt3A_451 : i1 to i32
      %cond3A = arith.constant 0 : i32
      %cond3A_452 = arith.cmpi ne, %convert_element_type3A, %cond3A : i32
      scf.if %cond3A_452 {
        %dma_wait3A_672 = arith.constant 0 : i32
        %dma_wait3A_673 = arith.constant 0 : i32
        %dma_wait3A_674 = tpu.memref_slice %arg7[%dma_wait3A_672, %mul3A_2, %dma_wait3A_673] : memref<8x51200x128xf32, #tpu.memory_space<hbm>> -> memref<8x40x128xf32, #tpu.memory_space<hbm>>
        %dma_wait3A_675 = arith.constant 0 : i32
        %dma_wait3A_676 = arith.constant 0 : i32
        %dma_wait3A_677 = tpu.memref_slice %arg7[%dma_wait3A_675, %mul3A_2, %dma_wait3A_676] : memref<8x51200x128xf32, #tpu.memory_space<hbm>> -> memref<8x40x128xf32, #tpu.memory_space<hbm>>
        tpu.wait_dma2 semaphore(%arg18 : memref<!tpu.dma_semaphore, #tpu.memory_space<semaphore_mem>>) src(%arg13 : memref<8x40x128xf32, #tpu.memory_space<vmem>>) dst(%dma_wait3A_677 : memref<8x40x128xf32, #tpu.memory_space<hbm>>)
        %add3A_678 = arith.constant 2 : i32
        %add3A_679 = arith.addi %mul3A_125, %add3A_678 : i32
        %mul3A_680 = arith.constant 8 : i32
        %mul3A_681 = arith.muli %add3A_679, %mul3A_680 : i32
        %add3A_682 = arith.constant 0 : i32
        %add3A_683 = arith.addi %mul3A_681, %add3A_682 : i32
        %dma_start3A_684 = arith.constant 0 : i32
        %dma_start3A_685 = arith.constant 0 : i32
        %dma_start3A_686 = arith.constant 0 : i32
        %dma_start3A_687 = tpu.memref_slice %arg13[%dma_start3A_684, %dma_start3A_685, %dma_start3A_686] : memref<8x40x128xf32, #tpu.memory_space<vmem>> -> memref<1x40x128xf32, #tpu.memory_space<vmem>>
        %dma_start3A_688 = tpu.memref_squeeze %dma_start3A_687 : memref<1x40x128xf32, #tpu.memory_space<vmem>> -> memref<40x128xf32, #tpu.memory_space<vmem>>
        %dma_start3A_689 = arith.constant 0 : i32
        %dma_start3A_690 = tpu.memref_slice %arg9[%add3A_683, %dma_start3A_689] : memref<320x40xi32, #tpu.memory_space<vmem>> -> memref<1x40xi32, #tpu.memory_space<vmem>>
        %dma_start3A_691 = tpu.memref_squeeze %dma_start3A_690 : memref<1x40xi32, #tpu.memory_space<vmem>> -> memref<40xi32, #tpu.memory_space<vmem>>
        %dma_start3A_692 = arith.constant 0 : i32
        %dma_start3A_693 = arith.constant 0 : i32
        %dma_start3A_694 = tpu.memref_slice %arg2[%dma_start3A_692, %dma_start3A_693] : memref<8000x128xf32, #tpu.memory_space<hbm>> -> memref<8000x128xf32, #tpu.memory_space<hbm>>
        tpu.enqueue_indirect_dma source(%dma_start3A_694 : memref<8000x128xf32, #tpu.memory_space<hbm>>) target(%dma_start3A_688 : memref<40x128xf32, #tpu.memory_space<vmem>>) offsets(%dma_start3A_691 : memref<40xi32, #tpu.memory_space<vmem>>) semaphore(%arg16 : memref<!tpu.dma_semaphore, #tpu.memory_space<semaphore_mem>>)
        %mul3A_695 = arith.constant 8 : i32
        %mul3A_696 = arith.muli %add3A_679, %mul3A_695 : i32
        %add3A_697 = arith.constant 1 : i32
        %add3A_698 = arith.addi %mul3A_696, %add3A_697 : i32
        %dma_start3A_699 = arith.constant 1 : i32
        %dma_start3A_700 = arith.constant 0 : i32
        %dma_start3A_701 = arith.constant 0 : i32
        %dma_start3A_702 = tpu.memref_slice %arg13[%dma_start3A_699, %dma_start3A_700, %dma_start3A_701] : memref<8x40x128xf32, #tpu.memory_space<vmem>> -> memref<1x40x128xf32, #tpu.memory_space<vmem>>
        %dma_start3A_703 = tpu.memref_squeeze %dma_start3A_702 : memref<1x40x128xf32, #tpu.memory_space<vmem>> -> memref<40x128xf32, #tpu.memory_space<vmem>>
        %dma_start3A_704 = arith.constant 0 : i32
        %dma_start3A_705 = tpu.memref_slice %arg9[%add3A_698, %dma_start3A_704] : memref<320x40xi32, #tpu.memory_space<vmem>> -> memref<1x40xi32, #tpu.memory_space<vmem>>
        %dma_start3A_706 = tpu.memref_squeeze %dma_start3A_705 : memref<1x40xi32, #tpu.memory_space<vmem>> -> memref<40xi32, #tpu.memory_space<vmem>>
        %dma_start3A_707 = arith.constant 0 : i32
        %dma_start3A_708 = arith.constant 0 : i32
        %dma_start3A_709 = tpu.memref_slice %arg2[%dma_start3A_707, %dma_start3A_708] : memref<8000x128xf32, #tpu.memory_space<hbm>> -> memref<8000x128xf32, #tpu.memory_space<hbm>>
        tpu.enqueue_indirect_dma source(%dma_start3A_709 : memref<8000x128xf32, #tpu.memory_space<hbm>>) target(%dma_start3A_703 : memref<40x128xf32, #tpu.memory_space<vmem>>) offsets(%dma_start3A_706 : memref<40xi32, #tpu.memory_space<vmem>>) semaphore(%arg16 : memref<!tpu.dma_semaphore, #tpu.memory_space<semaphore_mem>>)
        %mul3A_710 = arith.constant 8 : i32
        %mul3A_711 = arith.muli %add3A_679, %mul3A_710 : i32
        %add3A_712 = arith.constant 2 : i32
        %add3A_713 = arith.addi %mul3A_711, %add3A_712 : i32
        %dma_start3A_714 = arith.constant 2 : i32
        %dma_start3A_715 = arith.constant 0 : i32
        %dma_start3A_716 = arith.constant 0 : i32
        %dma_start3A_717 = tpu.memref_slice %arg13[%dma_start3A_714, %dma_start3A_715, %dma_start3A_716] : memref<8x40x128xf32, #tpu.memory_space<vmem>> -> memref<1x40x128xf32, #tpu.memory_space<vmem>>
        %dma_start3A_718 = tpu.memref_squeeze %dma_start3A_717 : memref<1x40x128xf32, #tpu.memory_space<vmem>> -> memref<40x128xf32, #tpu.memory_space<vmem>>
        %dma_start3A_719 = arith.constant 0 : i32
        %dma_start3A_720 = tpu.memref_slice %arg9[%add3A_713, %dma_start3A_719] : memref<320x40xi32, #tpu.memory_space<vmem>> -> memref<1x40xi32, #tpu.memory_space<vmem>>
        %dma_start3A_721 = tpu.memref_squeeze %dma_start3A_720 : memref<1x40xi32, #tpu.memory_space<vmem>> -> memref<40xi32, #tpu.memory_space<vmem>>
        %dma_start3A_722 = arith.constant 0 : i32
        %dma_start3A_723 = arith.constant 0 : i32
        %dma_start3A_724 = tpu.memref_slice %arg2[%dma_start3A_722, %dma_start3A_723] : memref<8000x128xf32, #tpu.memory_space<hbm>> -> memref<8000x128xf32, #tpu.memory_space<hbm>>
        tpu.enqueue_indirect_dma source(%dma_start3A_724 : memref<8000x128xf32, #tpu.memory_space<hbm>>) target(%dma_start3A_718 : memref<40x128xf32, #tpu.memory_space<vmem>>) offsets(%dma_start3A_721 : memref<40xi32, #tpu.memory_space<vmem>>) semaphore(%arg16 : memref<!tpu.dma_semaphore, #tpu.memory_space<semaphore_mem>>)
        %mul3A_725 = arith.constant 8 : i32
        %mul3A_726 = arith.muli %add3A_679, %mul3A_725 : i32
        %add3A_727 = arith.constant 3 : i32
        %add3A_728 = arith.addi %mul3A_726, %add3A_727 : i32
        %dma_start3A_729 = arith.constant 3 : i32
        %dma_start3A_730 = arith.constant 0 : i32
        %dma_start3A_731 = arith.constant 0 : i32
        %dma_start3A_732 = tpu.memref_slice %arg13[%dma_start3A_729, %dma_start3A_730, %dma_start3A_731] : memref<8x40x128xf32, #tpu.memory_space<vmem>> -> memref<1x40x128xf32, #tpu.memory_space<vmem>>
        %dma_start3A_733 = tpu.memref_squeeze %dma_start3A_732 : memref<1x40x128xf32, #tpu.memory_space<vmem>> -> memref<40x128xf32, #tpu.memory_space<vmem>>
        %dma_start3A_734 = arith.constant 0 : i32
        %dma_start3A_735 = tpu.memref_slice %arg9[%add3A_728, %dma_start3A_734] : memref<320x40xi32, #tpu.memory_space<vmem>> -> memref<1x40xi32, #tpu.memory_space<vmem>>
        %dma_start3A_736 = tpu.memref_squeeze %dma_start3A_735 : memref<1x40xi32, #tpu.memory_space<vmem>> -> memref<40xi32, #tpu.memory_space<vmem>>
        %dma_start3A_737 = arith.constant 0 : i32
        %dma_start3A_738 = arith.constant 0 : i32
        %dma_start3A_739 = tpu.memref_slice %arg2[%dma_start3A_737, %dma_start3A_738] : memref<8000x128xf32, #tpu.memory_space<hbm>> -> memref<8000x128xf32, #tpu.memory_space<hbm>>
        tpu.enqueue_indirect_dma source(%dma_start3A_739 : memref<8000x128xf32, #tpu.memory_space<hbm>>) target(%dma_start3A_733 : memref<40x128xf32, #tpu.memory_space<vmem>>) offsets(%dma_start3A_736 : memref<40xi32, #tpu.memory_space<vmem>>) semaphore(%arg16 : memref<!tpu.dma_semaphore, #tpu.memory_space<semaphore_mem>>)
        %mul3A_740 = arith.constant 8 : i32
        %mul3A_741 = arith.muli %add3A_679, %mul3A_740 : i32
        %add3A_742 = arith.constant 4 : i32
        %add3A_743 = arith.addi %mul3A_741, %add3A_742 : i32
        %dma_start3A_744 = arith.constant 4 : i32
        %dma_start3A_745 = arith.constant 0 : i32
        %dma_start3A_746 = arith.constant 0 : i32
        %dma_start3A_747 = tpu.memref_slice %arg13[%dma_start3A_744, %dma_start3A_745, %dma_start3A_746] : memref<8x40x128xf32, #tpu.memory_space<vmem>> -> memref<1x40x128xf32, #tpu.memory_space<vmem>>
        %dma_start3A_748 = tpu.memref_squeeze %dma_start3A_747 : memref<1x40x128xf32, #tpu.memory_space<vmem>> -> memref<40x128xf32, #tpu.memory_space<vmem>>
        %dma_start3A_749 = arith.constant 0 : i32
        %dma_start3A_750 = tpu.memref_slice %arg9[%add3A_743, %dma_start3A_749] : memref<320x40xi32, #tpu.memory_space<vmem>> -> memref<1x40xi32, #tpu.memory_space<vmem>>
        %dma_start3A_751 = tpu.memref_squeeze %dma_start3A_750 : memref<1x40xi32, #tpu.memory_space<vmem>> -> memref<40xi32, #tpu.memory_space<vmem>>
        %dma_start3A_752 = arith.constant 0 : i32
        %dma_start3A_753 = arith.constant 0 : i32
        %dma_start3A_754 = tpu.memref_slice %arg2[%dma_start3A_752, %dma_start3A_753] : memref<8000x128xf32, #tpu.memory_space<hbm>> -> memref<8000x128xf32, #tpu.memory_space<hbm>>
        tpu.enqueue_indirect_dma source(%dma_start3A_754 : memref<8000x128xf32, #tpu.memory_space<hbm>>) target(%dma_start3A_748 : memref<40x128xf32, #tpu.memory_space<vmem>>) offsets(%dma_start3A_751 : memref<40xi32, #tpu.memory_space<vmem>>) semaphore(%arg16 : memref<!tpu.dma_semaphore, #tpu.memory_space<semaphore_mem>>)
        %mul3A_755 = arith.constant 8 : i32
        %mul3A_756 = arith.muli %add3A_679, %mul3A_755 : i32
        %add3A_757 = arith.constant 5 : i32
        %add3A_758 = arith.addi %mul3A_756, %add3A_757 : i32
        %dma_start3A_759 = arith.constant 5 : i32
        %dma_start3A_760 = arith.constant 0 : i32
        %dma_start3A_761 = arith.constant 0 : i32
        %dma_start3A_762 = tpu.memref_slice %arg13[%dma_start3A_759, %dma_start3A_760, %dma_start3A_761] : memref<8x40x128xf32, #tpu.memory_space<vmem>> -> memref<1x40x128xf32, #tpu.memory_space<vmem>>
        %dma_start3A_763 = tpu.memref_squeeze %dma_start3A_762 : memref<1x40x128xf32, #tpu.memory_space<vmem>> -> memref<40x128xf32, #tpu.memory_space<vmem>>
        %dma_start3A_764 = arith.constant 0 : i32
        %dma_start3A_765 = tpu.memref_slice %arg9[%add3A_758, %dma_start3A_764] : memref<320x40xi32, #tpu.memory_space<vmem>> -> memref<1x40xi32, #tpu.memory_space<vmem>>
        %dma_start3A_766 = tpu.memref_squeeze %dma_start3A_765 : memref<1x40xi32, #tpu.memory_space<vmem>> -> memref<40xi32, #tpu.memory_space<vmem>>
        %dma_start3A_767 = arith.constant 0 : i32
        %dma_start3A_768 = arith.constant 0 : i32
        %dma_start3A_769 = tpu.memref_slice %arg2[%dma_start3A_767, %dma_start3A_768] : memref<8000x128xf32, #tpu.memory_space<hbm>> -> memref<8000x128xf32, #tpu.memory_space<hbm>>
        tpu.enqueue_indirect_dma source(%dma_start3A_769 : memref<8000x128xf32, #tpu.memory_space<hbm>>) target(%dma_start3A_763 : memref<40x128xf32, #tpu.memory_space<vmem>>) offsets(%dma_start3A_766 : memref<40xi32, #tpu.memory_space<vmem>>) semaphore(%arg16 : memref<!tpu.dma_semaphore, #tpu.memory_space<semaphore_mem>>)
        %mul3A_770 = arith.constant 8 : i32
        %mul3A_771 = arith.muli %add3A_679, %mul3A_770 : i32
        %add3A_772 = arith.constant 6 : i32
        %add3A_773 = arith.addi %mul3A_771, %add3A_772 : i32
        %dma_start3A_774 = arith.constant 6 : i32
        %dma_start3A_775 = arith.constant 0 : i32
        %dma_start3A_776 = arith.constant 0 : i32
        %dma_start3A_777 = tpu.memref_slice %arg13[%dma_start3A_774, %dma_start3A_775, %dma_start3A_776] : memref<8x40x128xf32, #tpu.memory_space<vmem>> -> memref<1x40x128xf32, #tpu.memory_space<vmem>>
        %dma_start3A_778 = tpu.memref_squeeze %dma_start3A_777 : memref<1x40x128xf32, #tpu.memory_space<vmem>> -> memref<40x128xf32, #tpu.memory_space<vmem>>
        %dma_start3A_779 = arith.constant 0 : i32
        %dma_start3A_780 = tpu.memref_slice %arg9[%add3A_773, %dma_start3A_779] : memref<320x40xi32, #tpu.memory_space<vmem>> -> memref<1x40xi32, #tpu.memory_space<vmem>>
        %dma_start3A_781 = tpu.memref_squeeze %dma_start3A_780 : memref<1x40xi32, #tpu.memory_space<vmem>> -> memref<40xi32, #tpu.memory_space<vmem>>
        %dma_start3A_782 = arith.constant 0 : i32
        %dma_start3A_783 = arith.constant 0 : i32
        %dma_start3A_784 = tpu.memref_slice %arg2[%dma_start3A_782, %dma_start3A_783] : memref<8000x128xf32, #tpu.memory_space<hbm>> -> memref<8000x128xf32, #tpu.memory_space<hbm>>
        tpu.enqueue_indirect_dma source(%dma_start3A_784 : memref<8000x128xf32, #tpu.memory_space<hbm>>) target(%dma_start3A_778 : memref<40x128xf32, #tpu.memory_space<vmem>>) offsets(%dma_start3A_781 : memref<40xi32, #tpu.memory_space<vmem>>) semaphore(%arg16 : memref<!tpu.dma_semaphore, #tpu.memory_space<semaphore_mem>>)
        %mul3A_785 = arith.constant 8 : i32
        %mul3A_786 = arith.muli %add3A_679, %mul3A_785 : i32
        %add3A_787 = arith.constant 7 : i32
        %add3A_788 = arith.addi %mul3A_786, %add3A_787 : i32
        %dma_start3A_789 = arith.constant 7 : i32
        %dma_start3A_790 = arith.constant 0 : i32
        %dma_start3A_791 = arith.constant 0 : i32
        %dma_start3A_792 = tpu.memref_slice %arg13[%dma_start3A_789, %dma_start3A_790, %dma_start3A_791] : memref<8x40x128xf32, #tpu.memory_space<vmem>> -> memref<1x40x128xf32, #tpu.memory_space<vmem>>
        %dma_start3A_793 = tpu.memref_squeeze %dma_start3A_792 : memref<1x40x128xf32, #tpu.memory_space<vmem>> -> memref<40x128xf32, #tpu.memory_space<vmem>>
        %dma_start3A_794 = arith.constant 0 : i32
        %dma_start3A_795 = tpu.memref_slice %arg9[%add3A_788, %dma_start3A_794] : memref<320x40xi32, #tpu.memory_space<vmem>> -> memref<1x40xi32, #tpu.memory_space<vmem>>
        %dma_start3A_796 = tpu.memref_squeeze %dma_start3A_795 : memref<1x40xi32, #tpu.memory_space<vmem>> -> memref<40xi32, #tpu.memory_space<vmem>>
        %dma_start3A_797 = arith.constant 0 : i32
        %dma_start3A_798 = arith.constant 0 : i32
        %dma_start3A_799 = tpu.memref_slice %arg2[%dma_start3A_797, %dma_start3A_798] : memref<8000x128xf32, #tpu.memory_space<hbm>> -> memref<8000x128xf32, #tpu.memory_space<hbm>>
        tpu.enqueue_indirect_dma source(%dma_start3A_799 : memref<8000x128xf32, #tpu.memory_space<hbm>>) target(%dma_start3A_793 : memref<40x128xf32, #tpu.memory_space<vmem>>) offsets(%dma_start3A_796 : memref<40xi32, #tpu.memory_space<vmem>>) semaphore(%arg16 : memref<!tpu.dma_semaphore, #tpu.memory_space<semaphore_mem>>)
      } else {
      }
      %dma_wait3A_453 = arith.constant 0 : i32
      %dma_wait3A_454 = arith.constant 0 : i32
      %dma_wait3A_455 = arith.constant 0 : i32
      %dma_wait3A_456 = arith.constant 0 : i32
      %dma_wait3A_457 = tpu.memref_slice %arg14[%dma_wait3A_454, %dma_wait3A_455, %dma_wait3A_456] : memref<8x40x128xf32, #tpu.memory_space<vmem>> -> memref<1x40x128xf32, #tpu.memory_space<vmem>>
      %dma_wait3A_458 = tpu.memref_squeeze %dma_wait3A_457 : memref<1x40x128xf32, #tpu.memory_space<vmem>> -> memref<40x128xf32, #tpu.memory_space<vmem>>
      %dma_wait3A_459 = arith.constant 0 : i32
      %dma_wait3A_460 = tpu.memref_slice %arg9[%dma_wait3A_453, %dma_wait3A_459] : memref<320x40xi32, #tpu.memory_space<vmem>> -> memref<1x40xi32, #tpu.memory_space<vmem>>
      %dma_wait3A_461 = tpu.memref_squeeze %dma_wait3A_460 : memref<1x40xi32, #tpu.memory_space<vmem>> -> memref<40xi32, #tpu.memory_space<vmem>>
      %dma_wait3A_462 = arith.constant 0 : i32
      %dma_wait3A_463 = arith.constant 0 : i32
      %dma_wait3A_464 = tpu.memref_slice %arg2[%dma_wait3A_462, %dma_wait3A_463] : memref<8000x128xf32, #tpu.memory_space<hbm>> -> memref<8000x128xf32, #tpu.memory_space<hbm>>
      tpu.wait_indirect_dma semaphore(%arg17 : memref<!tpu.dma_semaphore, #tpu.memory_space<semaphore_mem>>) src(%dma_wait3A_464 : memref<8000x128xf32, #tpu.memory_space<hbm>>) dst(%dma_wait3A_458 : memref<40x128xf32, #tpu.memory_space<vmem>>)
      %dma_wait3A_465 = arith.constant 1 : i32
      %dma_wait3A_466 = arith.constant 1 : i32
      %dma_wait3A_467 = arith.constant 0 : i32
      %dma_wait3A_468 = arith.constant 0 : i32
      %dma_wait3A_469 = tpu.memref_slice %arg14[%dma_wait3A_466, %dma_wait3A_467, %dma_wait3A_468] : memref<8x40x128xf32, #tpu.memory_space<vmem>> -> memref<1x40x128xf32, #tpu.memory_space<vmem>>
      %dma_wait3A_470 = tpu.memref_squeeze %dma_wait3A_469 : memref<1x40x128xf32, #tpu.memory_space<vmem>> -> memref<40x128xf32, #tpu.memory_space<vmem>>
      %dma_wait3A_471 = arith.constant 0 : i32
      %dma_wait3A_472 = tpu.memref_slice %arg9[%dma_wait3A_465, %dma_wait3A_471] : memref<320x40xi32, #tpu.memory_space<vmem>> -> memref<1x40xi32, #tpu.memory_space<vmem>>
      %dma_wait3A_473 = tpu.memref_squeeze %dma_wait3A_472 : memref<1x40xi32, #tpu.memory_space<vmem>> -> memref<40xi32, #tpu.memory_space<vmem>>
      %dma_wait3A_474 = arith.constant 0 : i32
      %dma_wait3A_475 = arith.constant 0 : i32
      %dma_wait3A_476 = tpu.memref_slice %arg2[%dma_wait3A_474, %dma_wait3A_475] : memref<8000x128xf32, #tpu.memory_space<hbm>> -> memref<8000x128xf32, #tpu.memory_space<hbm>>
      tpu.wait_indirect_dma semaphore(%arg17 : memref<!tpu.dma_semaphore, #tpu.memory_space<semaphore_mem>>) src(%dma_wait3A_476 : memref<8000x128xf32, #tpu.memory_space<hbm>>) dst(%dma_wait3A_470 : memref<40x128xf32, #tpu.memory_space<vmem>>)
      %dma_wait3A_477 = arith.constant 2 : i32
      %dma_wait3A_478 = arith.constant 2 : i32
      %dma_wait3A_479 = arith.constant 0 : i32
      %dma_wait3A_480 = arith.constant 0 : i32
      %dma_wait3A_481 = tpu.memref_slice %arg14[%dma_wait3A_478, %dma_wait3A_479, %dma_wait3A_480] : memref<8x40x128xf32, #tpu.memory_space<vmem>> -> memref<1x40x128xf32, #tpu.memory_space<vmem>>
      %dma_wait3A_482 = tpu.memref_squeeze %dma_wait3A_481 : memref<1x40x128xf32, #tpu.memory_space<vmem>> -> memref<40x128xf32, #tpu.memory_space<vmem>>
      %dma_wait3A_483 = arith.constant 0 : i32
      %dma_wait3A_484 = tpu.memref_slice %arg9[%dma_wait3A_477, %dma_wait3A_483] : memref<320x40xi32, #tpu.memory_space<vmem>> -> memref<1x40xi32, #tpu.memory_space<vmem>>
      %dma_wait3A_485 = tpu.memref_squeeze %dma_wait3A_484 : memref<1x40xi32, #tpu.memory_space<vmem>> -> memref<40xi32, #tpu.memory_space<vmem>>
      %dma_wait3A_486 = arith.constant 0 : i32
      %dma_wait3A_487 = arith.constant 0 : i32
      %dma_wait3A_488 = tpu.memref_slice %arg2[%dma_wait3A_486, %dma_wait3A_487] : memref<8000x128xf32, #tpu.memory_space<hbm>> -> memref<8000x128xf32, #tpu.memory_space<hbm>>
      tpu.wait_indirect_dma semaphore(%arg17 : memref<!tpu.dma_semaphore, #tpu.memory_space<semaphore_mem>>) src(%dma_wait3A_488 : memref<8000x128xf32, #tpu.memory_space<hbm>>) dst(%dma_wait3A_482 : memref<40x128xf32, #tpu.memory_space<vmem>>)
      %dma_wait3A_489 = arith.constant 3 : i32
      %dma_wait3A_490 = arith.constant 3 : i32
      %dma_wait3A_491 = arith.constant 0 : i32
      %dma_wait3A_492 = arith.constant 0 : i32
      %dma_wait3A_493 = tpu.memref_slice %arg14[%dma_wait3A_490, %dma_wait3A_491, %dma_wait3A_492] : memref<8x40x128xf32, #tpu.memory_space<vmem>> -> memref<1x40x128xf32, #tpu.memory_space<vmem>>
      %dma_wait3A_494 = tpu.memref_squeeze %dma_wait3A_493 : memref<1x40x128xf32, #tpu.memory_space<vmem>> -> memref<40x128xf32, #tpu.memory_space<vmem>>
      %dma_wait3A_495 = arith.constant 0 : i32
      %dma_wait3A_496 = tpu.memref_slice %arg9[%dma_wait3A_489, %dma_wait3A_495] : memref<320x40xi32, #tpu.memory_space<vmem>> -> memref<1x40xi32, #tpu.memory_space<vmem>>
      %dma_wait3A_497 = tpu.memref_squeeze %dma_wait3A_496 : memref<1x40xi32, #tpu.memory_space<vmem>> -> memref<40xi32, #tpu.memory_space<vmem>>
      %dma_wait3A_498 = arith.constant 0 : i32
      %dma_wait3A_499 = arith.constant 0 : i32
      %dma_wait3A_500 = tpu.memref_slice %arg2[%dma_wait3A_498, %dma_wait3A_499] : memref<8000x128xf32, #tpu.memory_space<hbm>> -> memref<8000x128xf32, #tpu.memory_space<hbm>>
      tpu.wait_indirect_dma semaphore(%arg17 : memref<!tpu.dma_semaphore, #tpu.memory_space<semaphore_mem>>) src(%dma_wait3A_500 : memref<8000x128xf32, #tpu.memory_space<hbm>>) dst(%dma_wait3A_494 : memref<40x128xf32, #tpu.memory_space<vmem>>)
      %dma_wait3A_501 = arith.constant 4 : i32
      %dma_wait3A_502 = arith.constant 4 : i32
      %dma_wait3A_503 = arith.constant 0 : i32
      %dma_wait3A_504 = arith.constant 0 : i32
      %dma_wait3A_505 = tpu.memref_slice %arg14[%dma_wait3A_502, %dma_wait3A_503, %dma_wait3A_504] : memref<8x40x128xf32, #tpu.memory_space<vmem>> -> memref<1x40x128xf32, #tpu.memory_space<vmem>>
      %dma_wait3A_506 = tpu.memref_squeeze %dma_wait3A_505 : memref<1x40x128xf32, #tpu.memory_space<vmem>> -> memref<40x128xf32, #tpu.memory_space<vmem>>
      %dma_wait3A_507 = arith.constant 0 : i32
      %dma_wait3A_508 = tpu.memref_slice %arg9[%dma_wait3A_501, %dma_wait3A_507] : memref<320x40xi32, #tpu.memory_space<vmem>> -> memref<1x40xi32, #tpu.memory_space<vmem>>
      %dma_wait3A_509 = tpu.memref_squeeze %dma_wait3A_508 : memref<1x40xi32, #tpu.memory_space<vmem>> -> memref<40xi32, #tpu.memory_space<vmem>>
      %dma_wait3A_510 = arith.constant 0 : i32
      %dma_wait3A_511 = arith.constant 0 : i32
      %dma_wait3A_512 = tpu.memref_slice %arg2[%dma_wait3A_510, %dma_wait3A_511] : memref<8000x128xf32, #tpu.memory_space<hbm>> -> memref<8000x128xf32, #tpu.memory_space<hbm>>
      tpu.wait_indirect_dma semaphore(%arg17 : memref<!tpu.dma_semaphore, #tpu.memory_space<semaphore_mem>>) src(%dma_wait3A_512 : memref<8000x128xf32, #tpu.memory_space<hbm>>) dst(%dma_wait3A_506 : memref<40x128xf32, #tpu.memory_space<vmem>>)
      %dma_wait3A_513 = arith.constant 5 : i32
      %dma_wait3A_514 = arith.constant 5 : i32
      %dma_wait3A_515 = arith.constant 0 : i32
      %dma_wait3A_516 = arith.constant 0 : i32
      %dma_wait3A_517 = tpu.memref_slice %arg14[%dma_wait3A_514, %dma_wait3A_515, %dma_wait3A_516] : memref<8x40x128xf32, #tpu.memory_space<vmem>> -> memref<1x40x128xf32, #tpu.memory_space<vmem>>
      %dma_wait3A_518 = tpu.memref_squeeze %dma_wait3A_517 : memref<1x40x128xf32, #tpu.memory_space<vmem>> -> memref<40x128xf32, #tpu.memory_space<vmem>>
      %dma_wait3A_519 = arith.constant 0 : i32
      %dma_wait3A_520 = tpu.memref_slice %arg9[%dma_wait3A_513, %dma_wait3A_519] : memref<320x40xi32, #tpu.memory_space<vmem>> -> memref<1x40xi32, #tpu.memory_space<vmem>>
      %dma_wait3A_521 = tpu.memref_squeeze %dma_wait3A_520 : memref<1x40xi32, #tpu.memory_space<vmem>> -> memref<40xi32, #tpu.memory_space<vmem>>
      %dma_wait3A_522 = arith.constant 0 : i32
      %dma_wait3A_523 = arith.constant 0 : i32
      %dma_wait3A_524 = tpu.memref_slice %arg2[%dma_wait3A_522, %dma_wait3A_523] : memref<8000x128xf32, #tpu.memory_space<hbm>> -> memref<8000x128xf32, #tpu.memory_space<hbm>>
      tpu.wait_indirect_dma semaphore(%arg17 : memref<!tpu.dma_semaphore, #tpu.memory_space<semaphore_mem>>) src(%dma_wait3A_524 : memref<8000x128xf32, #tpu.memory_space<hbm>>) dst(%dma_wait3A_518 : memref<40x128xf32, #tpu.memory_space<vmem>>)
      %dma_wait3A_525 = arith.constant 6 : i32
      %dma_wait3A_526 = arith.constant 6 : i32
      %dma_wait3A_527 = arith.constant 0 : i32
      %dma_wait3A_528 = arith.constant 0 : i32
      %dma_wait3A_529 = tpu.memref_slice %arg14[%dma_wait3A_526, %dma_wait3A_527, %dma_wait3A_528] : memref<8x40x128xf32, #tpu.memory_space<vmem>> -> memref<1x40x128xf32, #tpu.memory_space<vmem>>
      %dma_wait3A_530 = tpu.memref_squeeze %dma_wait3A_529 : memref<1x40x128xf32, #tpu.memory_space<vmem>> -> memref<40x128xf32, #tpu.memory_space<vmem>>
      %dma_wait3A_531 = arith.constant 0 : i32
      %dma_wait3A_532 = tpu.memref_slice %arg9[%dma_wait3A_525, %dma_wait3A_531] : memref<320x40xi32, #tpu.memory_space<vmem>> -> memref<1x40xi32, #tpu.memory_space<vmem>>
      %dma_wait3A_533 = tpu.memref_squeeze %dma_wait3A_532 : memref<1x40xi32, #tpu.memory_space<vmem>> -> memref<40xi32, #tpu.memory_space<vmem>>
      %dma_wait3A_534 = arith.constant 0 : i32
      %dma_wait3A_535 = arith.constant 0 : i32
      %dma_wait3A_536 = tpu.memref_slice %arg2[%dma_wait3A_534, %dma_wait3A_535] : memref<8000x128xf32, #tpu.memory_space<hbm>> -> memref<8000x128xf32, #tpu.memory_space<hbm>>
      tpu.wait_indirect_dma semaphore(%arg17 : memref<!tpu.dma_semaphore, #tpu.memory_space<semaphore_mem>>) src(%dma_wait3A_536 : memref<8000x128xf32, #tpu.memory_space<hbm>>) dst(%dma_wait3A_530 : memref<40x128xf32, #tpu.memory_space<vmem>>)
      %dma_wait3A_537 = arith.constant 7 : i32
      %dma_wait3A_538 = arith.constant 7 : i32
      %dma_wait3A_539 = arith.constant 0 : i32
      %dma_wait3A_540 = arith.constant 0 : i32
      %dma_wait3A_541 = tpu.memref_slice %arg14[%dma_wait3A_538, %dma_wait3A_539, %dma_wait3A_540] : memref<8x40x128xf32, #tpu.memory_space<vmem>> -> memref<1x40x128xf32, #tpu.memory_space<vmem>>
      %dma_wait3A_542 = tpu.memref_squeeze %dma_wait3A_541 : memref<1x40x128xf32, #tpu.memory_space<vmem>> -> memref<40x128xf32, #tpu.memory_space<vmem>>
      %dma_wait3A_543 = arith.constant 0 : i32
      %dma_wait3A_544 = tpu.memref_slice %arg9[%dma_wait3A_537, %dma_wait3A_543] : memref<320x40xi32, #tpu.memory_space<vmem>> -> memref<1x40xi32, #tpu.memory_space<vmem>>
      %dma_wait3A_545 = tpu.memref_squeeze %dma_wait3A_544 : memref<1x40xi32, #tpu.memory_space<vmem>> -> memref<40xi32, #tpu.memory_space<vmem>>
      %dma_wait3A_546 = arith.constant 0 : i32
      %dma_wait3A_547 = arith.constant 0 : i32
      %dma_wait3A_548 = tpu.memref_slice %arg2[%dma_wait3A_546, %dma_wait3A_547] : memref<8000x128xf32, #tpu.memory_space<hbm>> -> memref<8000x128xf32, #tpu.memory_space<hbm>>
      tpu.wait_indirect_dma semaphore(%arg17 : memref<!tpu.dma_semaphore, #tpu.memory_space<semaphore_mem>>) src(%dma_wait3A_548 : memref<8000x128xf32, #tpu.memory_space<hbm>>) dst(%dma_wait3A_542 : memref<40x128xf32, #tpu.memory_space<vmem>>)
      %add3A_549 = arith.constant 1 : i32
      %add3A_550 = arith.addi %mul3A_125, %add3A_549 : i32
      %iota3A_551 = tpu.iota {dimensions = array<i32: 0>} : vector<16xi32>
      %add3A_552 = arith.constant 0 : i32
      %add3A_553 = vector.broadcast %add3A_552 : i32 to vector<16xi32>
      %add3A_554 = arith.addi %add3A_553, %iota3A_551 : vector<16xi32>
      %lt3A_555 = arith.constant 40 : i32
      %lt3A_556 = vector.broadcast %lt3A_555 : i32 to vector<16xi32>
      %lt3A_557 = arith.cmpi slt, %add3A_554, %lt3A_556 : vector<16xi32>
      %min3A_558 = arith.constant 39 : i32
      %min3A_559 = vector.broadcast %min3A_558 : i32 to vector<16xi32>
      %min3A_560 = arith.minsi %add3A_554, %min3A_559 : vector<16xi32>
      %mul3A_561 = arith.constant 40 : i32
      %mul3A_562 = arith.muli %add3A_550, %mul3A_561 : i32
      %add3A_563 = vector.broadcast %mul3A_562 : i32 to vector<16xi32>
      %add3A_564 = arith.addi %add3A_563, %add3A_554 : vector<16xi32>
      %min3A_565 = arith.constant 1599 : i32
      %min3A_566 = vector.broadcast %min3A_565 : i32 to vector<16xi32>
      %min3A_567 = arith.minsi %add3A_564, %min3A_566 : vector<16xi32>
      %shift_right_arithmetic3A_568 = arith.constant 7 : i32
      %shift_right_arithmetic3A_569 = vector.broadcast %shift_right_arithmetic3A_568 : i32 to vector<16xi32>
      %shift_right_arithmetic3A_570 = arith.shrsi %min3A_567, %shift_right_arithmetic3A_569 : vector<16xi32>
      %and3A_571 = arith.constant 127 : i32
      %and3A_572 = vector.broadcast %and3A_571 : i32 to vector<16xi32>
      %and3A_573 = arith.andi %min3A_567, %and3A_572 : vector<16xi32>
      %gather3A_574 = tpu.vector_load_idx %arg11[%shift_right_arithmetic3A_570, %and3A_573] : memref<13x128xi32, #tpu.memory_space<vmem>>[vector<16xi32>, vector<16xi32>], vector<16xi32>,
      %shift_right_arithmetic3A_575 = arith.constant 7 : i32
      %shift_right_arithmetic3A_576 = vector.broadcast %shift_right_arithmetic3A_575 : i32 to vector<16xi32>
      %shift_right_arithmetic3A_577 = arith.shrsi %gather3A_574, %shift_right_arithmetic3A_576 : vector<16xi32>
      %and3A_578 = arith.constant 127 : i32
      %and3A_579 = vector.broadcast %and3A_578 : i32 to vector<16xi32>
      %and3A_580 = arith.andi %gather3A_574, %and3A_579 : vector<16xi32>
      %gather3A_581 = tpu.vector_load_idx %arg14[%shift_right_arithmetic3A_577, %min3A_560, %and3A_580] masked %lt3A_557 : memref<8x40x128xf32, #tpu.memory_space<vmem>>[vector<16xi32>, vector<16xi32>, vector<16xi32>], vector<16xf32>, vector<16xi1>
      %broadcast_in_dim3A_582 = arith.constant 0.000000e+00 : f32
      %broadcast_in_dim3A_583 = vector.broadcast %broadcast_in_dim3A_582 : f32 to vector<16xf32>
      %select_n3A_584 = arith.select %lt3A_557, %gather3A_581, %broadcast_in_dim3A_583 : vector<16xi1>, vector<16xf32>
      %sub3A_585 = arith.subf %sub3A_440, %select_n3A_584 : vector<16xf32>
      %iota3A_586 = tpu.iota {dimensions = array<i32: 0>} : vector<16xi32>
      %add3A_587 = arith.constant 16 : i32
      %add3A_588 = vector.broadcast %add3A_587 : i32 to vector<16xi32>
      %add3A_589 = arith.addi %add3A_588, %iota3A_586 : vector<16xi32>
      %lt3A_590 = arith.constant 40 : i32
      %lt3A_591 = vector.broadcast %lt3A_590 : i32 to vector<16xi32>
      %lt3A_592 = arith.cmpi slt, %add3A_589, %lt3A_591 : vector<16xi32>
      %min3A_593 = arith.constant 39 : i32
      %min3A_594 = vector.broadcast %min3A_593 : i32 to vector<16xi32>
      %min3A_595 = arith.minsi %add3A_589, %min3A_594 : vector<16xi32>
      %mul3A_596 = arith.constant 40 : i32
      %mul3A_597 = arith.muli %add3A_550, %mul3A_596 : i32
      %add3A_598 = vector.broadcast %mul3A_597 : i32 to vector<16xi32>
      %add3A_599 = arith.addi %add3A_598, %add3A_589 : vector<16xi32>
      %min3A_600 = arith.constant 1599 : i32
      %min3A_601 = vector.broadcast %min3A_600 : i32 to vector<16xi32>
      %min3A_602 = arith.minsi %add3A_599, %min3A_601 : vector<16xi32>
      %shift_right_arithmetic3A_603 = arith.constant 7 : i32
      %shift_right_arithmetic3A_604 = vector.broadcast %shift_right_arithmetic3A_603 : i32 to vector<16xi32>
      %shift_right_arithmetic3A_605 = arith.shrsi %min3A_602, %shift_right_arithmetic3A_604 : vector<16xi32>
      %and3A_606 = arith.constant 127 : i32
      %and3A_607 = vector.broadcast %and3A_606 : i32 to vector<16xi32>
      %and3A_608 = arith.andi %min3A_602, %and3A_607 : vector<16xi32>
      %gather3A_609 = tpu.vector_load_idx %arg11[%shift_right_arithmetic3A_605, %and3A_608] : memref<13x128xi32, #tpu.memory_space<vmem>>[vector<16xi32>, vector<16xi32>], vector<16xi32>,
      %shift_right_arithmetic3A_610 = arith.constant 7 : i32
      %shift_right_arithmetic3A_611 = vector.broadcast %shift_right_arithmetic3A_610 : i32 to vector<16xi32>
      %shift_right_arithmetic3A_612 = arith.shrsi %gather3A_609, %shift_right_arithmetic3A_611 : vector<16xi32>
      %and3A_613 = arith.constant 127 : i32
      %and3A_614 = vector.broadcast %and3A_613 : i32 to vector<16xi32>
      %and3A_615 = arith.andi %gather3A_609, %and3A_614 : vector<16xi32>
      %gather3A_616 = tpu.vector_load_idx %arg14[%shift_right_arithmetic3A_612, %min3A_595, %and3A_615] masked %lt3A_592 : memref<8x40x128xf32, #tpu.memory_space<vmem>>[vector<16xi32>, vector<16xi32>, vector<16xi32>], vector<16xf32>, vector<16xi1>
      %broadcast_in_dim3A_617 = arith.constant 0.000000e+00 : f32
      %broadcast_in_dim3A_618 = vector.broadcast %broadcast_in_dim3A_617 : f32 to vector<16xf32>
      %select_n3A_619 = arith.select %lt3A_592, %gather3A_616, %broadcast_in_dim3A_618 : vector<16xi1>, vector<16xf32>
      %sub3A_620 = arith.subf %sub3A_585, %select_n3A_619 : vector<16xf32>
      %iota3A_621 = tpu.iota {dimensions = array<i32: 0>} : vector<16xi32>
      %add3A_622 = arith.constant 32 : i32
      %add3A_623 = vector.broadcast %add3A_622 : i32 to vector<16xi32>
      %add3A_624 = arith.addi %add3A_623, %iota3A_621 : vector<16xi32>
      %lt3A_625 = arith.constant 40 : i32
      %lt3A_626 = vector.broadcast %lt3A_625 : i32 to vector<16xi32>
      %lt3A_627 = arith.cmpi slt, %add3A_624, %lt3A_626 : vector<16xi32>
      %min3A_628 = arith.constant 39 : i32
      %min3A_629 = vector.broadcast %min3A_628 : i32 to vector<16xi32>
      %min3A_630 = arith.minsi %add3A_624, %min3A_629 : vector<16xi32>
      %mul3A_631 = arith.constant 40 : i32
      %mul3A_632 = arith.muli %add3A_550, %mul3A_631 : i32
      %add3A_633 = vector.broadcast %mul3A_632 : i32 to vector<16xi32>
      %add3A_634 = arith.addi %add3A_633, %add3A_624 : vector<16xi32>
      %min3A_635 = arith.constant 1599 : i32
      %min3A_636 = vector.broadcast %min3A_635 : i32 to vector<16xi32>
      %min3A_637 = arith.minsi %add3A_634, %min3A_636 : vector<16xi32>
      %shift_right_arithmetic3A_638 = arith.constant 7 : i32
      %shift_right_arithmetic3A_639 = vector.broadcast %shift_right_arithmetic3A_638 : i32 to vector<16xi32>
      %shift_right_arithmetic3A_640 = arith.shrsi %min3A_637, %shift_right_arithmetic3A_639 : vector<16xi32>
      %and3A_641 = arith.constant 127 : i32
      %and3A_642 = vector.broadcast %and3A_641 : i32 to vector<16xi32>
      %and3A_643 = arith.andi %min3A_637, %and3A_642 : vector<16xi32>
      %gather3A_644 = tpu.vector_load_idx %arg11[%shift_right_arithmetic3A_640, %and3A_643] : memref<13x128xi32, #tpu.memory_space<vmem>>[vector<16xi32>, vector<16xi32>], vector<16xi32>,
      %shift_right_arithmetic3A_645 = arith.constant 7 : i32
      %shift_right_arithmetic3A_646 = vector.broadcast %shift_right_arithmetic3A_645 : i32 to vector<16xi32>
      %shift_right_arithmetic3A_647 = arith.shrsi %gather3A_644, %shift_right_arithmetic3A_646 : vector<16xi32>
      %and3A_648 = arith.constant 127 : i32
      %and3A_649 = vector.broadcast %and3A_648 : i32 to vector<16xi32>
      %and3A_650 = arith.andi %gather3A_644, %and3A_649 : vector<16xi32>
      %gather3A_651 = tpu.vector_load_idx %arg14[%shift_right_arithmetic3A_647, %min3A_630, %and3A_650] masked %lt3A_627 : memref<8x40x128xf32, #tpu.memory_space<vmem>>[vector<16xi32>, vector<16xi32>, vector<16xi32>], vector<16xf32>, vector<16xi1>
      %broadcast_in_dim3A_652 = arith.constant 0.000000e+00 : f32
      %broadcast_in_dim3A_653 = vector.broadcast %broadcast_in_dim3A_652 : f32 to vector<16xf32>
      %select_n3A_654 = arith.select %lt3A_627, %gather3A_651, %broadcast_in_dim3A_653 : vector<16xi1>, vector<16xf32>
      %sub3A_655 = arith.subf %sub3A_620, %select_n3A_654 : vector<16xf32>
      %add3A_656 = arith.constant 1 : i32
      %add3A_657 = arith.addi %mul3A_125, %add3A_656 : i32
      %mul3A_658 = arith.constant 40 : i32
      %mul3A_659 = arith.muli %add3A_657, %mul3A_658 : i32
      %add3A_660 = arith.addi %mul3A_2, %mul3A_659 : i32
      %dma_start3A_661 = arith.constant 0 : i32
      %dma_start3A_662 = arith.constant 0 : i32
      %dma_start3A_663 = tpu.memref_slice %arg7[%dma_start3A_661, %add3A_660, %dma_start3A_662] : memref<8x51200x128xf32, #tpu.memory_space<hbm>> -> memref<8x40x128xf32, #tpu.memory_space<hbm>>
      %dma_start3A_664 = arith.constant 0 : i32
      %dma_start3A_665 = arith.constant 0 : i32
      %dma_start3A_666 = tpu.memref_slice %arg7[%dma_start3A_664, %add3A_660, %dma_start3A_665] : memref<8x51200x128xf32, #tpu.memory_space<hbm>> -> memref<8x40x128xf32, #tpu.memory_space<hbm>>
      tpu.enqueue_dma source(%arg14 : memref<8x40x128xf32, #tpu.memory_space<vmem>>) target(%dma_start3A_666 : memref<8x40x128xf32, #tpu.memory_space<hbm>>) target_semaphore(%arg19 : memref<!tpu.dma_semaphore, #tpu.memory_space<semaphore_mem>>)
      %lt3A_667 = arith.constant 19 : i32
      %lt3A_668 = arith.cmpi slt, %scan3A_122, %lt3A_667 : i32
      %convert_element_type3A_669 = arith.extui %lt3A_668 : i1 to i32
      %cond3A_670 = arith.constant 0 : i32
      %cond3A_671 = arith.cmpi ne, %convert_element_type3A_669, %cond3A_670 : i32
      scf.if %cond3A_671 {
        %dma_wait3A_672 = arith.constant 0 : i32
        %dma_wait3A_673 = arith.constant 0 : i32
        %dma_wait3A_674 = tpu.memref_slice %arg7[%dma_wait3A_672, %mul3A_2, %dma_wait3A_673] : memref<8x51200x128xf32, #tpu.memory_space<hbm>> -> memref<8x40x128xf32, #tpu.memory_space<hbm>>
        %dma_wait3A_675 = arith.constant 0 : i32
        %dma_wait3A_676 = arith.constant 0 : i32
        %dma_wait3A_677 = tpu.memref_slice %arg7[%dma_wait3A_675, %mul3A_2, %dma_wait3A_676] : memref<8x51200x128xf32, #tpu.memory_space<hbm>> -> memref<8x40x128xf32, #tpu.memory_space<hbm>>
        tpu.wait_dma2 semaphore(%arg19 : memref<!tpu.dma_semaphore, #tpu.memory_space<semaphore_mem>>) src(%arg14 : memref<8x40x128xf32, #tpu.memory_space<vmem>>) dst(%dma_wait3A_677 : memref<8x40x128xf32, #tpu.memory_space<hbm>>)
      } else {
      }
      scf.yield %sub3A_655 : vector<16xf32>
    }
    %scan3A_109 = arith.constant 20 : i32
    %dma_wait3A = arith.constant 0 : i32
    %dma_wait3A_110 = arith.constant 0 : i32
    %dma_wait3A_111 = tpu.memref_slice %arg7[%dma_wait3A, %mul3A_2, %dma_wait3A_110] : memref<8x51200x128xf32, #tpu.memory_space<hbm>> -> memref<8x40x128xf32, #tpu.memory_space<hbm>>
    %dma_wait3A_112 = arith.constant 0 : i32
    %dma_wait3A_113 = arith.constant 0 : i32
    %dma_wait3A_114 = tpu.memref_slice %arg7[%dma_wait3A_112, %mul3A_2, %dma_wait3A_113] : memref<8x51200x128xf32, #tpu.memory_space<hbm>> -> memref<8x40x128xf32, #tpu.memory_space<hbm>>
    tpu.wait_dma2 semaphore(%arg18 : memref<!tpu.dma_semaphore, #tpu.memory_space<semaphore_mem>>) src(%arg13 : memref<8x40x128xf32, #tpu.memory_space<vmem>>) dst(%dma_wait3A_114 : memref<8x40x128xf32, #tpu.memory_space<hbm>>)
    %dma_wait3A_115 = arith.constant 0 : i32
    %dma_wait3A_116 = arith.constant 0 : i32
    %dma_wait3A_117 = tpu.memref_slice %arg7[%dma_wait3A_115, %mul3A_2, %dma_wait3A_116] : memref<8x51200x128xf32, #tpu.memory_space<hbm>> -> memref<8x40x128xf32, #tpu.memory_space<hbm>>
    %dma_wait3A_118 = arith.constant 0 : i32
    %dma_wait3A_119 = arith.constant 0 : i32
    %dma_wait3A_120 = tpu.memref_slice %arg7[%dma_wait3A_118, %mul3A_2, %dma_wait3A_119] : memref<8x51200x128xf32, #tpu.memory_space<hbm>> -> memref<8x40x128xf32, #tpu.memory_space<hbm>>
    tpu.wait_dma2 semaphore(%arg19 : memref<!tpu.dma_semaphore, #tpu.memory_space<semaphore_mem>>) src(%arg14 : memref<8x40x128xf32, #tpu.memory_space<vmem>>) dst(%dma_wait3A_120 : memref<8x40x128xf32, #tpu.memory_space<hbm>>)
    %swap3A = arith.constant 0 : index
    %swap3A_121 = tpu.vector_load %arg15[%swap3A] {strides = array<i32>} : memref<16xf32, #tpu.memory_space<vmem>>, vector<16xf32>,
    tpu.vector_store %arg15[%swap3A], %scan3A_108 {strides = array<i32>} : memref<16xf32, #tpu.memory_space<vmem>>, vector<16xf32>,
    "tpu.region"() ({
      %run_scoped3A = tpu.sem_alloc : memref<!tpu.dma_semaphore, #tpu.memory_space<semaphore_mem>>
      %dma_start3A_122 = arith.constant 0 : i32
      %dma_start3A_123 = tpu.memref_slice %arg8[%add3A, %dma_start3A_122] : memref<32x16xf32, #tpu.memory_space<hbm>> -> memref<1x16xf32, #tpu.memory_space<hbm>>
      %dma_start3A_124 = tpu.memref_squeeze %dma_start3A_123 : memref<1x16xf32, #tpu.memory_space<hbm>> -> memref<16xf32, #tpu.memory_space<hbm>>
      %dma_start3A_125 = arith.constant 0 : i32
      %dma_start3A_126 = tpu.memref_slice %arg8[%add3A, %dma_start3A_125] : memref<32x16xf32, #tpu.memory_space<hbm>> -> memref<1x16xf32, #tpu.memory_space<hbm>>
      %dma_start3A_127 = tpu.memref_squeeze %dma_start3A_126 : memref<1x16xf32, #tpu.memory_space<hbm>> -> memref<16xf32, #tpu.memory_space<hbm>>
      tpu.enqueue_dma source(%arg15 : memref<16xf32, #tpu.memory_space<vmem>>) target(%dma_start3A_127 : memref<16xf32, #tpu.memory_space<hbm>>) target_semaphore(%run_scoped3A : memref<!tpu.dma_semaphore, #tpu.memory_space<semaphore_mem>>)
      %dma_wait3A_128 = arith.constant 0 : i32
      %dma_wait3A_129 = tpu.memref_slice %arg8[%add3A, %dma_wait3A_128] : memref<32x16xf32, #tpu.memory_space<hbm>> -> memref<1x16xf32, #tpu.memory_space<hbm>>
      %dma_wait3A_130 = tpu.memref_squeeze %dma_wait3A_129 : memref<1x16xf32, #tpu.memory_space<hbm>> -> memref<16xf32, #tpu.memory_space<hbm>>
      %dma_wait3A_131 = arith.constant 0 : i32
      %dma_wait3A_132 = tpu.memref_slice %arg8[%add3A, %dma_wait3A_131] : memref<32x16xf32, #tpu.memory_space<hbm>> -> memref<1x16xf32, #tpu.memory_space<hbm>>
      %dma_wait3A_133 = tpu.memref_squeeze %dma_wait3A_132 : memref<1x16xf32, #tpu.memory_space<hbm>> -> memref<16xf32, #tpu.memory_space<hbm>>
      tpu.wait_dma2 semaphore(%run_scoped3A : memref<!tpu.dma_semaphore, #tpu.memory_space<semaphore_mem>>) src(%arg15 : memref<16xf32, #tpu.memory_space<vmem>>) dst(%dma_wait3A_133 : memref<16xf32, #tpu.memory_space<hbm>>)
      tpu.yield
    }) : () -> ()
    return
  }
}

module attributes {stable_mosaic.version = 14 : i64} {
  func.func @_lse_body(%arg0: memref<1000x1000xf32, #tpu.memory_space<vmem>>, %arg1: memref<1000x1xf32, #tpu.memory_space<vmem>>) attributes {dimension_semantics = [], scalar_prefetch = 0 : i64, scratch_operands = 0 : i64, tpu.core_type = #tpu.core_type<tc>} {
    %get3A = arith.constant 0 : index
    %get3A_0 = arith.constant 0 : index
    %get3A_1 = vector.load %arg0[%get3A, %get3A_0] : memref<1000x1000xf32, #tpu.memory_space<vmem>>, vector<1000x1000xf32>
    %reduce_max3A = arith.constant dense<0xFF800000> : vector<1000xf32>
    %reduce_max3A_2 = vector.multi_reduction <maximumf>, %get3A_1, %reduce_max3A [1] : vector<1000x1000xf32> to vector<1000xf32>
    %broadcast_in_dim3A = vector.shape_cast %reduce_max3A_2 : vector<1000xf32> to vector<1000x1xf32>
    %sub3A = vector.broadcast %broadcast_in_dim3A : vector<1000x1xf32> to vector<1000x1000xf32>
    %sub3A_3 = arith.subf %get3A_1, %sub3A : vector<1000x1000xf32>
    %exp3A = math.exp %sub3A_3 : vector<1000x1000xf32>
    %reduce_sum3A = arith.constant dense<0.000000e+00> : vector<1000xf32>
    %reduce_sum3A_4 = vector.multi_reduction <add>, %exp3A, %reduce_sum3A [1] : vector<1000x1000xf32> to vector<1000xf32>
    %broadcast_in_dim3A_5 = vector.shape_cast %reduce_sum3A_4 : vector<1000xf32> to vector<1000x1xf32>
    %log3A = math.log %broadcast_in_dim3A_5 : vector<1000x1xf32>
    %add3A = arith.addf %broadcast_in_dim3A, %log3A : vector<1000x1xf32>
    %swap3A = arith.constant 0 : index
    %swap3A_6 = arith.constant 0 : index
    %swap3A_7 = vector.load %arg1[%swap3A, %swap3A_6] : memref<1000x1xf32, #tpu.memory_space<vmem>>, vector<1000x1xf32>
    tpu.vector_store %arg1[%swap3A, %swap3A_6], %add3A {strides = array<i32>} : memref<1000x1xf32, #tpu.memory_space<vmem>>, vector<1000x1xf32>,
    return
  }
}

module attributes {stable_mosaic.version = 14 : i64} {
  func.func @body(%arg0: i32, %arg1: i32, %arg2: memref<1x6400x128xf32, #tpu.memory_space<vmem>>, %arg3: memref<50x128x128xf32, #tpu.memory_space<vmem>>) attributes {dimension_semantics = [#tpu.dimension_semantics<arbitrary>, #tpu.dimension_semantics<arbitrary>], iteration_bounds = array<i64: 8, 8>, scalar_prefetch = 0 : i64, scratch_operands = 0 : i64, tpu.core_type = #tpu.core_type<tc>, window_params = [{transform_indices = @transform_0, window_bounds = array<i64: 1, 6400, 128>}, {transform_indices = @transform_1, window_bounds = array<i64: 50, 128, 128>}]} {
    %get3A = arith.constant 0 : index
    %get3A_0 = arith.constant 0 : index
    %get3A_1 = arith.constant 0 : index
    %get3A_2 = vector.load %arg2[%get3A, %get3A_0, %get3A_1] : memref<1x6400x128xf32, #tpu.memory_space<vmem>>, vector<1x6400x128xf32>
    %reshape3A = vector.shape_cast %get3A_2 : vector<1x6400x128xf32> to vector<128x50x128xf32>
    %transpose3A = tpu.transpose %reshape3A, [1, 2, 0] : vector<128x50x128xf32> -> vector<50x128x128xf32>
    %swap3A = arith.constant 0 : index
    %swap3A_3 = arith.constant 0 : index
    %swap3A_4 = arith.constant 0 : index
    %swap3A_5 = vector.load %arg3[%swap3A, %swap3A_3, %swap3A_4] : memref<50x128x128xf32, #tpu.memory_space<vmem>>, vector<50x128x128xf32>
    tpu.vector_store %arg3[%swap3A, %swap3A_3, %swap3A_4], %transpose3A {strides = array<i32>} : memref<50x128x128xf32, #tpu.memory_space<vmem>>, vector<50x128x128xf32>,
    return
  }
  func.func @transform_0(%arg0: i32, %arg1: i32) -> (i32, i32, i32) {
    %c0_i32 = arith.constant 0 : i32
    %c0_i32_0 = arith.constant 0 : i32
    return %arg1, %arg0, %c0_i32 : i32, i32, i32
  }
  func.func @transform_1(%arg0: i32, %arg1: i32) -> (i32, i32, i32) {
    %c0_i32 = arith.constant 0 : i32
    %c0_i32_0 = arith.constant 0 : i32
    return %c0_i32, %arg1, %arg0 : i32, i32, i32
  }
}

</mosaic_0001>

<sc_bundles>
// kernel: kernel.5.cloned.1.call-start
scs
__scs_entry_jumppad:
0x0: {  	(pc) =	sbr.rel $0x88, $3  }
0x1: {  	(tag) =	ssettag $0x0;
	lr =	simm.s32 $0x1  }
0x2: {  	[smem:$0x3F9E] =	sst lr;
	_ =	strace $0xD0000000  }
0x3: {  	_ = 	snop  }
0x4: {  	_ = 	snop  }
0x5: {  	_ = 	snop  }
0x6: {  	_ = 	snop  }
0x7: {  	_ = 	snop  }
__scs_overlays_trampoline_lowered:
0x8: {  	[smem:$0x3FAD] =	sst s0  }
0x9: {  	[smem:$0x3FAE] =	sst s1  }
0xa: {  	[smem:$0x3FAF] =	sst s2  }
0xb: {  	[smem:$0x3FB0] =	sst s3  }
0xc: {  	[smem:$0x3FB1] =	sst s4  }
0xd: {  	[smem:$0x3FB2] =	sst s5  }
0xe: {  	[smem:$0x3FB3] =	sst s6  }
0xf: {  	[smem:$0x3FB4] =	sst s7  }
0x10: {  	[smem:$0x3FB5] =	sst s8  }
0x11: {  	[smem:$0x3FB6] =	sst s9;
	s0 =	simm.s32 @!p0 $0x0  }
0x12: {  	s1 =	sld [smem:$0x3F9C];
	s0 =	simm.s32 @p0 $0x1  }
0x13: {  	[smem:$0x3FB7] =	sst s0;
	s0 =	simm.s32 @!p1 $0x0  }
0x14: {  	s2 =	sld [smem:$0x3F9B];
	s0 =	simm.s32 @p1 $0x1  }
0x15: {  	[smem:$0x3FB8] =	sst s0;
	s0 =	simm.s32 @!p2 $0x0  }
0x16: {  	s3 =	sld [smem:$0x3FDB];
	s0 =	simm.s32 @p2 $0x1  }
0x17: {  	s4 =	simm.s32 $0x1BF5;
	[smem:$0x3FBA] =	sst s0  }
0x18: {  	s0 =	sld [smem:$0x3F9D];
	_ =	swait.ge [sflag:s4], $0x0  }
0x19: {  	s7 =	sld [smem:$0x3F9E]  }
0x1a: {  	s8 =	sadd.s32 $0xFFFFE003, lr  }
0x1b: {  	s9 =	sadd.s32 $0xFFFFFEF7, lr;
	s5 =	simm.s32 $0xFFFFFFFF;
	p2 =	slt.u32 s8, $0xFFFFF086  }
0x1c: {  	p1 =	slt.u32 s9, $0xF7A;
	s5 =	simm.s32 @!p2 $0x0  }
0x1d: {  	s5 =	simm.s32 @p1 $0x1;
	p0 =	seq.s32 s7, s2  }
0x1e: {  	s7 =	smul.u32 @!p0 $0xF7A, s2;
	p2 =	seq.s32 @!p0 s5, $0x0  }
0x1f: {  	s9 =	smul.u32 $0xF7A, s1;
	s8 =	simm.s32 @!p0 $0x1BF5;
	p2 =	por !p2, p0  }
0x20: {  	[sflag:s8] =	ssyncset.s32 @!p0 $0xFFFFF086;
	s6 =	sadd.s32 @!p0 s3, s7;
	s7 =	simm.s32 @!p0 $0x108  }
0x21: {  	s3 =	sadd.s32 s3, s9;
	s6 =	sadd.s32 @!p0 $0x88, s6;
	s7 =	simm.s32 @p2 $0x1082  }
0x22: {  	[simem:s7], [sflag:s8] =	dma.local @!p0 [hbm:s6], $0xF7A  }
0x23: {  	s9 =	sor.u32 $0xD0000000, s2;
	s6 =	simm.s32 $0x108;
	_ =	swait.ge @!p0 [sflag:s8], $0x0  }
0x24: {  	s3 =	sadd.s32 $0x88, s3;
	s6 =	simm.s32 @!p1 $0x1082;
	[sflag:s4] =	ssyncset.s32 $0xFFFFF086  }
0x25: {  	[simem:s6], [sflag:s4] =	dma.local [hbm:s3], $0xF7A  }
0x26: {  	[smem:$0x3F9E] =	sst s1;
	(tag) =	ssettag s2;
	_ =	strace s9  }
0x27: {  	s1 =	sld [smem:$0x3FAE]  }
0x28: {  	s2 =	sld [smem:$0x3FAF]  }
0x29: {  	s4 =	sld [smem:$0x3FB1]  }
0x2a: {  	p0 =	seq.s32 s5, $0x0;
	s5 =	sld [smem:$0x3FB2]  }
0x2b: {  	s6 =	sld [smem:$0x3FB3]  }
0x2c: {  	s7 =	sld [smem:$0x3FB4]  }
0x2d: {  	s3 =	simm.s32 $0x108;
	s8 =	sld [smem:$0x3FB5]  }
0x2e: {  	s3 =	simm.s32 @!p0 $0x1082;
	s9 =	sld [smem:$0x3FB6]  }
0x2f: {  	lr =	sadd.s32 s0, s3;
	s0 =	sld [smem:$0x3FAD]  }
0x30: {  	s3 =	sld [smem:$0x3FB0]  }
0x31: {  	[smem:$0x3FB9] =	sst s10  }
0x32: {  	s10 =	sld [smem:$0x3FB7];
	_ =	sdelay $0x3  }
0x33: {  	p0 =	seq.s32 s10, $0x1;
	s10 =	sld [smem:$0x3FB9];
	_ =	sdelay $0x3  }
0x34: {  	[smem:$0x3FB9] =	sst s10  }
0x35: {  	s10 =	sld [smem:$0x3FB8];
	_ =	sdelay $0x3  }
0x36: {  	p1 =	seq.s32 s10, $0x1;
	s10 =	sld [smem:$0x3FB9];
	_ =	sdelay $0x3  }
0x37: {  	[smem:$0x3FB9] =	sst s10  }
0x38: {  	s10 =	sld [smem:$0x3FBA]  }
0x39: {  	_ = 	snop;
	(pc) =	sbr.ind lr, $3  }
0x3a: {  	_ = 	snop  }
0x3b: {  	_ = 	snop  }
0x3c: {  	p2 =	seq.s32 s10, $0x1;
	s10 =	sld [smem:$0x3FB9]  }
0x3d: {  	_ =	shalt  }
0x3e: {  	_ =	shalt  }
0x3f: {  	_ =	shalt  }
0x40: {  	_ =	shalt  }
0x41: {  	_ =	shalt  }
0x42: {  	_ =	shalt  }
0x43: {  	_ =	shalt  }
0x44: {  	_ =	shalt  }
0x45: {  	_ =	shalt  }
0x46: {  	_ =	shalt  }
0x47: {  	_ =	shalt  }
0x48: {  	_ =	shalt  }
0x49: {  	_ =	shalt  }
0x4a: {  	_ =	shalt  }
0x4b: {  	_ =	shalt  }
0x4c: {  	_ =	shalt  }
0x4d: {  	_ =	shalt  }
0x4e: {  	_ =	shalt  }
0x4f: {  	_ =	shalt  }
0x50: {  	_ =	shalt  }
0x51: {  	_ =	shalt  }
0x52: {  	_ =	shalt  }
0x53: {  	_ =	shalt  }
0x54: {  	_ =	shalt  }
0x55: {  	_ =	shalt  }
0x56: {  	_ =	shalt  }
0x57: {  	_ =	shalt  }
0x58: {  	_ =	shalt  }
0x59: {  	_ =	shalt  }
0x5a: {  	_ =	shalt  }
0x5b: {  	_ =	shalt  }
0x5c: {  	_ =	shalt  }
0x5d: {  	_ =	shalt  }
0x5e: {  	_ =	shalt  }
0x5f: {  	_ =	shalt  }
0x60: {  	_ =	shalt  }
0x61: {  	_ =	shalt  }
0x62: {  	_ =	shalt  }
0x63: {  	_ =	shalt  }
0x64: {  	_ =	shalt  }
0x65: {  	_ =	shalt  }
0x66: {  	_ =	shalt  }
0x67: {  	_ =	shalt  }
0x68: {  	_ =	shalt  }
0x69: {  	_ =	shalt  }
0x6a: {  	_ =	shalt  }
0x6b: {  	_ =	shalt  }
0x6c: {  	_ =	shalt  }
0x6d: {  	_ =	shalt  }
0x6e: {  	_ =	shalt  }
0x6f: {  	_ =	shalt  }
0x70: {  	_ =	shalt  }
0x71: {  	_ =	shalt  }
0x72: {  	_ =	shalt  }
0x73: {  	_ =	shalt  }
0x74: {  	_ =	shalt  }
0x75: {  	_ =	shalt  }
0x76: {  	_ =	shalt  }
0x77: {  	_ =	shalt  }
0x78: {  	_ =	shalt  }
0x79: {  	_ =	shalt  }
0x7a: {  	_ =	shalt  }
0x7b: {  	_ =	shalt  }
0x7c: {  	_ =	shalt  }
0x7d: {  	_ =	shalt  }
0x7e: {  	_ =	shalt  }
0x7f: {  	_ =	shalt  }
0x80: {  	_ =	shalt  }
0x81: {  	_ =	shalt  }
0x82: {  	_ =	shalt  }
0x83: {  	_ =	shalt  }
0x84: {  	_ =	shalt  }
0x85: {  	_ =	shalt  }
0x86: {  	_ =	shalt  }
0x87: {  	_ =	shalt  }
.Lfunc_end0:
.L_simem_size_0:
called_computation_lowered:
.L_overlay_start_0:
0x88: {  	s2 =	sld [smem:$0x3FD9]  }
0x89: {  	s3 =	sld [smem:$0x3FFE];
	_ =	sdelay $0x1  }
0x8a: {  	s1 =	srdreg.scid  }
0x8b: {  	s0 =	sand.u32 $0x1, s1  }
0x8c: {  	s14 =	sshll.u32 s0, $0xA;
	s2 =	sadd.s32 s3, s2  }
0x8d: {  	s2 =	sadd.s32 s2, s14  }
0x8e: {  	[smem:$0x3FC5] =	sst s2  }
0x8f: {  	_ = 	snop  }
0x90: {  	s2 =	sld [smem:$0x3FD0];
	_ =	sdelay $0x2  }
0x91: {  	s15 =	simm.s32 $0xA;
	s4 =	simm.s32 $0x10  }
0x92: {  	[smem:s4], [sflag:s15] =	dma.local [hbm:s2], $0x1  }
0x93: {  	_ =	swait.eq [sflag:s15], $0x1  }
0x94: {  	[sflag:s15] =	ssyncset.done $0x0  }
0x95: {  	[sflag:s15] =	ssyncadd.s32 $0xFFFFFFFF  }
0x96: {  	s16 =	sld [smem:$0x10];
	(tm) =	ssettm $0x1  }
0x97: {  	s17 =	sld [smem:$0x3FFB];
	_ =	sdelay $0x3  }
0x98: {  	_ =	strace s17  }
0x99: {  	s3 =	sld [smem:$0x3FFC];
	_ =	sdelay $0x3  }
0x9a: {  	_ =	strace s3  }
0x9b: {  	s3 =	sld [smem:$0x3FFD];
	_ =	sdelay $0x3  }
0x9c: {  	_ =	strace s3  }
0x9d: {  	_ =	strace $0x8FFFFFFF  }
0x9e: {  	s18 =	sld [smem:$0x3FDB];
	_ =	sdelay $0x1  }
0x9f: {  	s19 =	simm.s32 $_scs_section_size  }
0xa0: {  	s5 =	simm.s32 $_size__tile_overlayer_lowered;
	s6 =	simm.s32 $_tile_overlayer_lowered  }
0xa1: {  	s22 =	simm.s32 $0x1BFF;
	s21 =	sshll.u32 s6, $0x1;
	s3 =	sadd.s32 s19, s18  }
0xa2: {  	s7 =	simm.s32 $0x0;
	s20 =	sshll.u32 s5, $0x1;
	s5 =	sadd.s32 s21, s3  }
0xa3: {  	[timem:s7], [sflag:s22] =	dma.local [hbm:s5], s20  }
0xa4: {  	_ =	swait.ge [sflag:s22], s20  }
0xa5: {  	s4 =	ssub.s32 $0x0, s20;
	[sflag:s22] =	ssyncset.done $0x0  }
0xa6: {  	[sflag:s22] =	ssyncadd.s32 s4;
	_ =	sdelay $0x1  }
0xa7: {  	s23 =	simm.s32 $0x1B8B  }
0xa8: {  	_ =	swait.ge [sflag:s23], $0x1  }
0xa9: {  	[sflag:s23] =	ssyncset.done $0x0  }
0xaa: {  	s25 =	simm.s32 $0x1B8E;
	s24 =	sld [smem:$0x3FFE];
	[sflag:s23] =	ssyncadd.s32 $0xFFFFFFFF  }
0xab: {  	s26 =	simm.s32 $execute0_lowered;
	[smem:$0x3FD2] =	sst s25  }
0xac: {  	s5 =	sshll.u32 s26, $0x1;
	_ =	strace $0x80000046;
	[dreg:$0x1] =	wrdreg $0xFFFFFFFF  }
0xad: {  	s28 =	simm.s32 $_size_execute0_lowered;
	s3 =	sadd.s32 s3, s5;
	[dreg:$0x0] =	wrdreg $0x0  }
0xae: {  	s5 =	sshll.u32 s28, $0x1;
	[dreg:$0x2] =	wrdreg s3  }
0xaf: {  	[dreg:$0x3] =	wrdreg s5  }
0xb0: {  	[dreg:$0x4] =	wrdreg $0xC0  }
0xb1: {  	_ =	task [dreg:s7], $0x5FFFF  }
0xb2: {  	[dreg:$0x1] =	wrdreg $0xFFFFFFFF  }
0xb3: {  	[dreg:$0x0] =	wrdreg $0x60  }
0xb4: {  	[dreg:$0x2] =	wrdreg s24  }
0xb5: {  	[dreg:$0x3] =	wrdreg s16  }
0xb6: {  	[dreg:$0x4] =	wrdreg $0x9  }
0xb7: {  	_ =	task.clear_ibuf [dreg:s7], $0x5FFFF;
	_ =	strace $0x90000046  }
0xb8: {  	s29 =	simm.s32 $0x9;
	_ =	strace $0x80000048  }
0xb9: {  	_ =	swait.ge [sflag:s29], $0x1  }
0xba: {  	[sflag:s29] =	ssyncadd.s32 $0xFFFFFFFF  }
0xbb: {  	_ =	strace $0x90000048  }
0xbc: {  	_ =	sfence  }
0xbd: {  	s30 =	sld [smem:$0x0];
	_ =	sdelay $0x2  }
0xbe: {  	s31 =	sshll.u32 s1, $0xD;
	s1 =	sshrl.u32 s1, $0x2  }
0xbf: {  	s3 =	sand.u32 $0x4000, s31;
	s1 =	sadd.s32 s1, s30  }
0xc0: {  	s0 =	sor.u32 s3, s0;
	s1 =	sshll.u32 s1, $0x11  }
0xc1: {  	s0 =	sor.u32 s1, s0  }
0xc2: {  	s0 =	sadd.s32 $0x8F2B, s0  }
0xc3: {  	[sflag:s0] =	ssyncadd.remote.s32 $0x1  }
0xc4: {  	_ =	sfence.sel $0xFFFF  }
0xc5: {  	[dreg:$0x0] =	wrdreg $0xFFFFFFFF;
	(pc) =	sbr.abs _section_cstart, $3  }
0xc6: {  	[dreg:$0x1] =	wrdreg $0xFFFFFFFF  }
0xc7: {  	_ =	task.clear_ibuf [dreg:s7], $0x2FFFF;
	_ =	strace $0x9FFFFFFF  }
0xc8: {  	(tm) =	ssettm $0x7FFFFFFF  }
0xc9: {  	_ =	shalt  }
tec
execute0_lowered:
.L_overlay_start_1:
0x0: {  	(tag) =	ssettag $0x1  }
0x1: {  	s0 =	rddreg [dreg:$0x0]  }
0x2: {  	s1 =	rddreg [dreg:$0x1]  }
0x3: {  	s3 =	srdreg.scid;
	s7 =	stileid.u32  }
0x4: {  	s2 =	simm.s32 $0x0;
	s11 =	simm.s32 $0x5;
	s12 =	simm.s32 $0xA000  }
0x5: {  	s13 =	simm.s32 $0xA800;
	s14 =	simm.s32 $0xB000;
	s15 =	simm.s32 $0x28  }
0x6: {  	s16 =	simm.s32 $0xB400;
	s17 =	simm.s32 $0x17C00;
	s18 =	simm.s32 $0x19000  }
0x7: {  	s28 =	simm.s32 $0x3;
	s29 =	simm.s32 $0x4;
	s31 =	simm.s32 $0x0  }
0x8: {  	s4 =	sand.u32 $0x1, s3;
	s19 =	sshll.u32 s7, $0x1;
	[smem:$0x7FF] =	sst s2  }
0x9: {  	s7 =	smul.u32 $0xC800, s7;
	s3 =	sadd.s32 $0x200, s0;
	s20 =	sadd.s32 $0x23600, s0  }
0xa: {  	s5 =	sor.u32 s4, s19;
	_ =	strace $0x80000047;
	[dreg:$0x3] =	wrdreg s20  }
0xb: {  	s21 =	ssub.s32 $0x2, s4;
	s4 =	smul.u32 $0x6400, s4;
	s19 =	simm.s32 $0x1A400  }
0xc: {  	s20 =	simm.s32 $0x1B800;
	s6 =	sshll.u32 s5, $0x8;
	s9 =	sadd.s32 s7, s0  }
0xd: {  	s22 =	smul.u32 $0x1400, s5;
	s5 =	sshll.u32 s5, $0x4;
	s10 =	sshrl.u32 s21, $0x1  }
0xe: {  	v0 =	vimm.s32 $0x1380;
	vm0 =	vcmask $0x300;
	s8 =	sadd.s32 s6, s0;
	s0 =	sadd.s32 s5, s0;
	s23 =	ssub.s32 s21, s10  }
0xf: {  	v0 =	vsel vm0, $0x1000, v0;
	vm0 =	vcmask $0x704;
	s26 =	sadd.s32 s4, s9;
	s21 =	simm.s32 $0x1CC00;
	s1 =	sadd.s32 s1, s22  }
0x10: {  	v1 =	vsel vm0, $0x1080, v0;
	vm0 =	vcmask $0xB08;
	s24 =	sadd.s32 $0x1F600, s8;
	s25 =	sadd.s32 $0x21600, s8;
	[dreg:$0x4] =	wrdreg s1  }
.Ltmp0:
0x11: {  	v0 =	vlaneseq.u32;
	v2 =	vsel vm0, $0x1100, v1;
	vm0 =	vcmask $0xF0C;
	s0 =	sadd.s32 $0x23800, s0;
	[dreg:$0x5] =	wrdreg s24;
	(pc) =	sbr.rel .LBB2_1-.Ltmp0, $4  }
0x12: {  	v1 =	vmul.u32 $0x80, v0;
	v3 =	vsel vm0, $0x1180, v2;
	vm0 =	vcmask $0x1310;
	s30 =	smax.u32 s23, $0x1;
	s4 =	sadd.s32 $0x23A00, s26;
	[dreg:$0x6] =	wrdreg s25  }
0x13: {  	v2 =	vor.u32 $0x10, v0;
	v4 =	vsel vm0, $0x1200, v3;
	vm0 =	vcmask $0x1714;
	s22 =	simm.s32 $0x1E000;
	s23 =	simm.s32 $0x1;
	[dreg:$0x7] =	wrdreg s0  }
0x14: {  	v3 =	vor.u32 $0x800, v1;
	s26 =	simm.s32 $0x2;
	[dreg:$0x8] =	wrdreg s30;
	s0 =	simm.s32 $0x15400;
	v5 =	vsel vm0, $0x1280, v4;
	vm0 =	vcmask $0x1B18  }
0x15: {  	s1 =	simm.s32 $0x16800;
	s24 =	simm.s32 $0x1400;
	s25 =	simm.s32 $0x640000;
	v4 =	vor.u32 $0x20, v0;
	v5 =	vsel vm0, $0x1300, v5;
	vm0 =	vmmov $0xff  }
.LBB2_6:
0x16: {  	_ =	swait.ge [sflag:s28], $0xA000  }
0x17: {  	[sflag:s28] =	ssyncset.done $0x0  }
0x18: {  	[sflag:s28] =	ssyncadd.s32 $0xFFFF6000  }
0x19: {  	_ =	swait.ge [sflag:s29], $0xA000  }
0x1a: {  	[sflag:s29] =	ssyncset.done $0x0  }
0x1b: {  	[sflag:s29] =	ssyncadd.s32 $0xFFFF6000  }
0x1c: {  	s6 =	simm.s32 $0x1F400;
	s5 =	rddreg [dreg:$0x7];
	[tilespmem:$0x1F400] =	vst v6  }
0x1d: {  	[hbm4b:s5+s2] =	stream.linear.scatter [tilespmem:s6], [sflag:$0x5], $0x80, $0x38;
	[tilespmem:$0x1F480] =	vst v63  }
0x1e: {  	_ =	swait.ge [sflag:s11], $0x80  }
0x1f: {  	s31 =	sadd.s32 $0x1, s31;
	s30 =	rddreg [dreg:$0x8]  }
0x20: {  	p0 =	sne.s32 s31, s30  }
.Ltmp1:
0x21: {  	_ = 	snop;
	(pc) =	sbr.rel @!p0 .LBB2_7-.Ltmp1, $3  }
0x22: {  	_ =	sdelay $0x1  }
0x23: {  	[sflag:s11] =	ssyncset.done $0x0  }
0x24: {  	[sflag:s11] =	ssyncadd.s32 $0xFFFFFF80  }
.LBB2_1:
0x25: {  	s5 =	rddreg [dreg:$0x4]  }
0x26: {  	[tilespmem:s2], [sflag:$0x5] =	stream.linear.gather [hbm4b:s5+s2], $0xA000, $0x38;
	[tilespmem:$0x1F480] =	vst v63  }
0x27: {  	_ =	swait.ge [sflag:s11], $0xA000  }
0x28: {  	[sflag:s11] =	ssyncset.done $0x0  }
0x29: {  	s7 =	rddreg [dreg:$0x5];
	[sflag:s11] =	ssyncadd.s32 $0xFFFF6000  }
0x2a: {  	[tilespmem:s12], [sflag:$0x5] =	stream.linear.gather [hbm4b:s7+s2], $0x680, $0x38;
	[tilespmem:$0x1F480] =	vst v63  }
0x2b: {  	_ =	swait.ge [sflag:s11], $0x680  }
0x2c: {  	[sflag:s11] =	ssyncset.done $0x0  }
0x2d: {  	s8 =	rddreg [dreg:$0x6];
	[sflag:s11] =	ssyncadd.s32 $0xFFFFF980  }
0x2e: {  	[tilespmem:s13], [sflag:$0x5] =	stream.linear.gather [hbm4b:s8+s2], $0x680, $0x38;
	[tilespmem:$0x1F480] =	vst v63  }
0x2f: {  	_ =	swait.ge [sflag:s11], $0x680  }
0x30: {  	[sflag:s11] =	ssyncset.done $0x0  }
0x31: {  	v6 =	vor.u32 s2, v0;
	s9 =	rddreg [dreg:$0x3];
	[sflag:s11] =	ssyncadd.s32 $0xFFFFF980  }
0x32: {  	[tilespmem:s14], [sflag:$0x5] =	stream.linear.gather [hbm4b:s9+s2], $0x400, $0x38;
	[tilespmem:$0x1F480] =	vst v63  }
0x33: {  	_ =	swait.ge [sflag:s11], $0x400  }
0x34: {  	[sflag:s11] =	ssyncset.done $0x0  }
0x35: {  	[sflag:s11] =	ssyncadd.s32 $0xFFFFFC00  }
0x36: {  	v6 =	vld.idx.msk [tilespmem:v6+s12+$0x0], $0xffff  }
0x37: {  	s10 =	simm.s32 $0x10  }
0x38: {  	v8 =	vor.u32 s10, v0;
	_ =	sdelay $0x4  }
0x39: {  	v8 =	vld.idx.msk [tilespmem:v8+s12+$0x0], $0xffff  }
0x3a: {  	v7 =	vld.idx.msk [tilespmem:v6+s14+$0x0], $0xffff;
	_ =	sdelay $0x2  }
0x3b: {  	s30 =	simm.s32 $0x20  }
0x3c: {  	v9 =	vor.u32 s30, v0;
	s5 =	simm.s32 $0x30;
	v6 =	vimm.f32 $0.0e+00  }
.LBB2_2:
0x3d: {  	p0 =	sne.s32 s5, $0x630;
	v6 =	vadd.f32 v7, v6;
	_ =	sdelay $0x2  }
0x3e: {  	v7 =	vld.idx.msk [tilespmem:v8+s14+$0x0], $0xffff  }
.Ltmp2:
0x3f: {  	v8 =	vld.idx.msk [tilespmem:v9+s12+$0x0], $0xffff;
	(pc) =	sbr.rel @p0 .LBB2_2-.Ltmp2, $2  }
0x40: {  	_ =	sdelay $0x2  }
0x41: {  	v9 =	vor.u32 s5, v0;
	s5 =	sadd.s32 $0x10, s5  }
0x42: {  	_ =	sdelay $0x3  }
0x43: {  	v9 =	vld.idx.msk [tilespmem:v9+s12+$0x0], $0xffff;
	_ =	sdelay $0x6  }
0x44: {  	v8 =	vld.idx.msk [tilespmem:v8+s14+$0x0], $0xffff;
	s30 =	simm.s32 $0x0  }
0x45: {  	v9 =	vld.idx.msk [tilespmem:v9+s14+$0x0], $0xffff;
	[tilespmem:s16], [sflag:$0x1] =	stream.indirect.gather [hbm4b:s3+s15], $0x80, s30, s15, $0xb8  }
0x46: {  	s5 =	simm.s32 $0x80;
	s6 =	simm.s32 $0xC800  }
0x47: {  	[tilespmem:s6], [sflag:$0x1] =	stream.indirect.gather [hbm4b:s3+s15], $0x80, s5, s15, $0xb8;
	[tilespmem:$0x1F480] =	vst v63  }
0x48: {  	s7 =	simm.s32 $0x100;
	s8 =	simm.s32 $0xDC00  }
0x49: {  	[tilespmem:s8], [sflag:$0x1] =	stream.indirect.gather [hbm4b:s3+s15], $0x80, s7, s15, $0xb8;
	[tilespmem:$0x1F480] =	vst v63  }
0x4a: {  	s9 =	simm.s32 $0x180;
	s10 =	simm.s32 $0xF000  }
0x4b: {  	[tilespmem:s10], [sflag:$0x1] =	stream.indirect.gather [hbm4b:s3+s15], $0x80, s9, s15, $0xb8;
	[tilespmem:$0x1F480] =	vst v63  }
0x4c: {  	s7 =	simm.s32 $0x200;
	s8 =	simm.s32 $0x10400  }
0x4d: {  	[tilespmem:s8], [sflag:$0x1] =	stream.indirect.gather [hbm4b:s3+s15], $0x80, s7, s15, $0xb8;
	[tilespmem:$0x1F480] =	vst v63  }
0x4e: {  	s9 =	simm.s32 $0x280;
	s10 =	simm.s32 $0x11800  }
0x4f: {  	[tilespmem:s10], [sflag:$0x1] =	stream.indirect.gather [hbm4b:s3+s15], $0x80, s9, s15, $0xb8;
	[tilespmem:$0x1F480] =	vst v63  }
0x50: {  	v6 =	vadd.f32 v7, v6;
	s7 =	simm.s32 $0x300;
	s8 =	simm.s32 $0x12C00  }
0x51: {  	[tilespmem:s8], [sflag:$0x1] =	stream.indirect.gather [hbm4b:s3+s15], $0x80, s7, s15, $0xb8;
	[tilespmem:$0x1F480] =	vst v63  }
0x52: {  	v6 =	vadd.f32 v8, v6;
	s9 =	simm.s32 $0x380;
	s10 =	simm.s32 $0x14000  }
0x53: {  	[tilespmem:s10], [sflag:$0x1] =	stream.indirect.gather [hbm4b:s3+s15], $0x80, s9, s15, $0xb8;
	[tilespmem:$0x1F480] =	vst v63  }
0x54: {  	s5 =	simm.s32 $0x0;
	v6 =	vadd.f32 v9, v6;
	s10 =	smov.u32 s4  }
.LBB2_4:
0x55: {  	s6 =	sshra.s32 s5, $0x2  }
0x56: {  	s7 =	sadd.s32 $0x400, s6  }
0x57: {  	[tilespmem:s0], [sflag:$0x2] =	stream.indirect.gather [hbm4b:s3+s15], $0x80, s7, s15, $0xb8;
	[tilespmem:$0x1F480] =	vst v63  }
0x58: {  	s8 =	sadd.s32 $0x480, s6  }
0x59: {  	[tilespmem:s1], [sflag:$0x2] =	stream.indirect.gather [hbm4b:s3+s15], $0x80, s8, s15, $0xb8;
	[tilespmem:$0x1F480] =	vst v63  }
0x5a: {  	s9 =	sadd.s32 $0x500, s6  }
0x5b: {  	[tilespmem:s17], [sflag:$0x2] =	stream.indirect.gather [hbm4b:s3+s15], $0x80, s9, s15, $0xb8;
	[tilespmem:$0x1F480] =	vst v63  }
0x5c: {  	s8 =	sadd.s32 $0x580, s6  }
0x5d: {  	[tilespmem:s18], [sflag:$0x2] =	stream.indirect.gather [hbm4b:s3+s15], $0x80, s8, s15, $0xb8;
	[tilespmem:$0x1F480] =	vst v63  }
0x5e: {  	s9 =	sadd.s32 $0x600, s6  }
0x5f: {  	[tilespmem:s19], [sflag:$0x2] =	stream.indirect.gather [hbm4b:s3+s15], $0x80, s9, s15, $0xb8;
	[tilespmem:$0x1F480] =	vst v63  }
0x60: {  	s8 =	sadd.s32 $0x680, s6  }
0x61: {  	[tilespmem:s20], [sflag:$0x2] =	stream.indirect.gather [hbm4b:s3+s15], $0x80, s8, s15, $0xb8;
	[tilespmem:$0x1F480] =	vst v63  }
0x62: {  	s9 =	sadd.s32 $0x700, s6  }
0x63: {  	[tilespmem:s21], [sflag:$0x2] =	stream.indirect.gather [hbm4b:s3+s15], $0x80, s9, s15, $0xb8;
	[tilespmem:$0x1F480] =	vst v63  }
0x64: {  	s6 =	sadd.s32 $0x780, s6  }
0x65: {  	[tilespmem:s22], [sflag:$0x2] =	stream.indirect.gather [hbm4b:s3+s15], $0x80, s6, s15, $0xb8;
	[tilespmem:$0x1F480] =	vst v63  }
0x66: {  	_ =	swait.ge [sflag:s23], $0x1400  }
0x67: {  	[sflag:s23] =	ssyncset.done $0x0  }
0x68: {  	[sflag:s23] =	ssyncadd.s32 $0xFFFFEC00  }
0x69: {  	_ =	swait.ge [sflag:s23], $0x1400  }
0x6a: {  	[sflag:s23] =	ssyncset.done $0x0  }
0x6b: {  	[sflag:s23] =	ssyncadd.s32 $0xFFFFEC00  }
0x6c: {  	_ =	swait.ge [sflag:s23], $0x1400  }
0x6d: {  	[sflag:s23] =	ssyncset.done $0x0  }
0x6e: {  	[sflag:s23] =	ssyncadd.s32 $0xFFFFEC00  }
0x6f: {  	_ =	swait.ge [sflag:s23], $0x1400  }
0x70: {  	[sflag:s23] =	ssyncset.done $0x0  }
0x71: {  	[sflag:s23] =	ssyncadd.s32 $0xFFFFEC00  }
0x72: {  	_ =	swait.ge [sflag:s23], $0x1400  }
0x73: {  	[sflag:s23] =	ssyncset.done $0x0  }
0x74: {  	[sflag:s23] =	ssyncadd.s32 $0xFFFFEC00  }
0x75: {  	_ =	swait.ge [sflag:s23], $0x1400  }
0x76: {  	[sflag:s23] =	ssyncset.done $0x0  }
0x77: {  	v7 =	vor.u32 s30, v0;
	[sflag:s23] =	ssyncadd.s32 $0xFFFFEC00  }
0x78: {  	v8 =	vadd.s32 s30, v2;
	vm1 =	vlt.s32 v7, $0x63F;
	_ =	swait.ge [sflag:s23], $0x1400  }
0x79: {  	v9 =	vadd.s32 s30, v4;
	v7 =	vnsel vm1, $0x63F, v7;
	vm1 =	vlt.s32 v8, $0x63F;
	[sflag:s23] =	ssyncset.done $0x0  }
0x7a: {  	v8 =	vnsel vm1, $0x63F, v8;
	vm1 =	vlt.s32 v9, $0x63F;
	[sflag:s23] =	ssyncadd.s32 $0xFFFFEC00  }
0x7b: {  	v9 =	vnsel vm1, $0x63F, v9;
	_ =	swait.ge [sflag:s23], $0x1400  }
0x7c: {  	[sflag:s23] =	ssyncset.done $0x0  }
0x7d: {  	[sflag:s23] =	ssyncadd.s32 $0xFFFFEC00  }
0x7e: {  	v7 =	vld.idx.msk [tilespmem:v7+s13+$0x0], $0xffff  }
0x7f: {  	v8 =	vld.idx.msk [tilespmem:v8+s13+$0x0], $0xffff  }
0x80: {  	v9 =	vld.idx.msk [tilespmem:v9+s13+$0x0], $0xffff;
	_ =	sdelay $0x2  }
0x81: {  	v10 =	vshrl.u32 v7, $0x7  }
0x82: {  	v11 =	vshrl.u32 v8, $0x7;
	v10 =	vmul.u32 $0x1400, v10  }
0x83: {  	v7 =	vand.u32 $0x7F, v7;
	v12 =	vshrl.u32 v9, $0x7;
	v11 =	vmul.u32 $0x1400, v11  }
0x84: {  	v8 =	vand.u32 $0x7F, v8;
	v57 =	vmul.u32 $0x1400, v12;
	v7 =	vor.u32 v7, v10  }
0x85: {  	v9 =	vand.u32 $0x7F, v9;
	v8 =	vor.u32 v8, v11;
	v7 =	vadd.s32 v1, v7  }
0x86: {  	v9 =	vor.u32 v9, v57;
	v8 =	vadd.s32 v3, v8  }
0x87: {  	v9 =	vadd.s32 v5, v9;
	_ =	sdelay $0x2  }
0x88: {  	p0 =	seq.s32 s5, $0x26000;
	v7 =	vld.idx.msk [tilespmem:v7+s16+$0x0], $0xffff  }
0x89: {  	s6 =	simm.s32 @!p0 $0x3;
	v8 =	vld.idx.msk [tilespmem:v8+s16+$0x0], $0xffff  }
0x8a: {  	v9 =	vld.idx.msk [tilespmem:v9+s16+$0x0], $0xff;
	[hbm4b:s10+s24] =	stream.strided.scatter [tilespmem:s16], [sflag:$0x3], $0xA000, s25, s24, $0x38  }
0x8b: {  	_ =	swait.ge @!p0 [sflag:s6], $0xA000  }
0x8c: {  	[sflag:s6] =	ssyncset.done @!p0 $0x0  }
0x8d: {  	[sflag:s6] =	ssyncadd.s32 @!p0 $0xFFFF6000;
	s6 =	sshra.s32 @!p0 s5, $0x2  }
0x8e: {  	s8 =	simm.s32 @!p0 $0x28;
	s9 =	simm.s32 @!p0 $0xB400;
	s7 =	sadd.s32 @!p0 $0x800, s6  }
0x8f: {  	[tilespmem:s9], [sflag:$0x1] =	stream.indirect.gather @!p0 [hbm4b:s3+s8], $0x80, s7, s8, $0xb8;
	[tilespmem:$0x1F480] =	vst v63  }
0x90: {  	s7 =	sadd.s32 @!p0 $0x880, s6;
	s9 =	simm.s32 @!p0 $0xC800  }
0x91: {  	[tilespmem:s9], [sflag:$0x1] =	stream.indirect.gather @!p0 [hbm4b:s3+s8], $0x80, s7, s8, $0xb8;
	[tilespmem:$0x1F480] =	vst v63  }
0x92: {  	s7 =	sadd.s32 @!p0 $0x900, s6;
	s9 =	simm.s32 @!p0 $0xDC00  }
0x93: {  	[tilespmem:s9], [sflag:$0x1] =	stream.indirect.gather @!p0 [hbm4b:s3+s8], $0x80, s7, s8, $0xb8;
	[tilespmem:$0x1F480] =	vst v63  }
0x94: {  	s7 =	sadd.s32 @!p0 $0x980, s6;
	s9 =	simm.s32 @!p0 $0xF000  }
0x95: {  	[tilespmem:s9], [sflag:$0x1] =	stream.indirect.gather @!p0 [hbm4b:s3+s8], $0x80, s7, s8, $0xb8;
	[tilespmem:$0x1F480] =	vst v63  }
0x96: {  	s7 =	sadd.s32 @!p0 $0xA00, s6;
	s9 =	simm.s32 @!p0 $0x10400  }
0x97: {  	[tilespmem:s9], [sflag:$0x1] =	stream.indirect.gather @!p0 [hbm4b:s3+s8], $0x80, s7, s8, $0xb8;
	[tilespmem:$0x1F480] =	vst v63  }
0x98: {  	s7 =	sadd.s32 @!p0 $0xA80, s6;
	s9 =	simm.s32 @!p0 $0x11800  }
0x99: {  	[tilespmem:s9], [sflag:$0x1] =	stream.indirect.gather @!p0 [hbm4b:s3+s8], $0x80, s7, s8, $0xb8;
	[tilespmem:$0x1F480] =	vst v63  }
0x9a: {  	s7 =	sadd.s32 @!p0 $0xB00, s6;
	s9 =	simm.s32 @!p0 $0x12C00  }
0x9b: {  	[tilespmem:s9], [sflag:$0x1] =	stream.indirect.gather @!p0 [hbm4b:s3+s8], $0x80, s7, s8, $0xb8;
	[tilespmem:$0x1F480] =	vst v63  }
0x9c: {  	s6 =	sadd.s32 @!p0 $0xB80, s6;
	s7 =	simm.s32 @!p0 $0x14000  }
0x9d: {  	[tilespmem:s7], [sflag:$0x1] =	stream.indirect.gather @!p0 [hbm4b:s3+s8], $0x80, s6, s8, $0xb8;
	[tilespmem:$0x1F480] =	vst v63  }
0x9e: {  	_ =	swait.ge [sflag:s26], $0x1400  }
0x9f: {  	[sflag:s26] =	ssyncset.done $0x0  }
0xa0: {  	[sflag:s26] =	ssyncadd.s32 $0xFFFFEC00  }
0xa1: {  	_ =	swait.ge [sflag:s26], $0x1400  }
0xa2: {  	[sflag:s26] =	ssyncset.done $0x0  }
0xa3: {  	[sflag:s26] =	ssyncadd.s32 $0xFFFFEC00  }
0xa4: {  	_ =	swait.ge [sflag:s26], $0x1400  }
0xa5: {  	[sflag:s26] =	ssyncset.done $0x0  }
0xa6: {  	[sflag:s26] =	ssyncadd.s32 $0xFFFFEC00  }
0xa7: {  	_ =	swait.ge [sflag:s26], $0x1400  }
0xa8: {  	[sflag:s26] =	ssyncset.done $0x0  }
0xa9: {  	[sflag:s26] =	ssyncadd.s32 $0xFFFFEC00  }
0xaa: {  	_ =	swait.ge [sflag:s26], $0x1400  }
0xab: {  	[sflag:s26] =	ssyncset.done $0x0  }
0xac: {  	[sflag:s26] =	ssyncadd.s32 $0xFFFFEC00  }
0xad: {  	_ =	swait.ge [sflag:s26], $0x1400  }
0xae: {  	s8 =	sadd.s32 $0x28, s30;
	[sflag:s26] =	ssyncset.done $0x0  }
0xaf: {  	v58 =	vadd.s32 s8, v0;
	[sflag:s26] =	ssyncadd.s32 $0xFFFFEC00  }
0xb0: {  	vm1 =	vlt.s32 v58, $0x63F;
	_ =	swait.ge [sflag:s26], $0x1400  }
0xb1: {  	v59 =	vadd.s32 s8, v2;
	v10 =	vnsel vm1, $0x63F, v58;
	[sflag:s26] =	ssyncset.done $0x0  }
0xb2: {  	v60 =	vadd.s32 s8, v4;
	vm1 =	vlt.s32 v59, $0x63F;
	[sflag:s26] =	ssyncadd.s32 $0xFFFFEC00  }
0xb3: {  	v11 =	vnsel vm1, $0x63F, v59;
	vm1 =	vlt.s32 v60, $0x63F;
	_ =	swait.ge [sflag:s26], $0x1400  }
0xb4: {  	v12 =	vnsel vm1, $0x63F, v60;
	[sflag:s26] =	ssyncset.done $0x0  }
0xb5: {  	[sflag:s26] =	ssyncadd.s32 $0xFFFFEC00  }
0xb6: {  	v10 =	vld.idx.msk [tilespmem:v10+s13+$0x0], $0xffff;
	_ =	sdelay $0x1  }
0xb7: {  	v11 =	vld.idx.msk [tilespmem:v11+s13+$0x0], $0xffff  }
0xb8: {  	v12 =	vld.idx.msk [tilespmem:v12+s13+$0x0], $0xffff;
	_ =	sdelay $0x1  }
0xb9: {  	v13 =	vshrl.u32 v10, $0x7  }
0xba: {  	v13 =	vmul.u32 $0x1400, v13  }
0xbb: {  	v10 =	vand.u32 $0x7F, v10;
	v14 =	vshrl.u32 v11, $0x7  }
0xbc: {  	v62 =	vshrl.u32 v12, $0x7;
	v61 =	vmul.u32 $0x1400, v14;
	v10 =	vor.u32 v10, v13  }
0xbd: {  	v11 =	vand.u32 $0x7F, v11;
	v14 =	vmul.u32 $0x1400, v62;
	v10 =	vadd.s32 v1, v10  }
0xbe: {  	v12 =	vand.u32 $0x7F, v12;
	v11 =	vor.u32 v11, v61  }
0xbf: {  	v12 =	vor.u32 v12, v14;
	v11 =	vadd.s32 v3, v11  }
0xc0: {  	v12 =	vadd.s32 v5, v12  }
0xc1: {  	v6 =	vsub.f32 v6, v7  }
0xc2: {  	v7 =	vld.idx.msk [tilespmem:v10+s0+$0x0], $0xffff  }
0xc3: {  	v6 =	vsub.f32 v6, v8  }
0xc4: {  	v8 =	vnsel vm0, $0x0, v9;
	v63 =	vld.idx.msk [tilespmem:v11+s0+$0x0], $0xffff  }
0xc5: {  	v6 =	vsub.f32 v6, v8;
	v8 =	vld.idx.msk [tilespmem:v12+s0+$0x0], $0xff;
	_ =	sdelay $0x1  }
.Ltmp3:
0xc6: {  	v6 =	vsub.f32 v6, v7;
	(pc) =	sbr.rel @p0 .LBB2_6-.Ltmp3, $4  }
0xc7: {  	_ = 	snop  }
0xc8: {  	v6 =	vsub.f32 v6, v63  }
0xc9: {  	s9 =	sadd.s32 $0x280, s10;
	v7 =	vnsel vm0, $0x0, v8  }
0xca: {  	[hbm4b:s9+s24] =	stream.strided.scatter [tilespmem:s0], [sflag:$0x4], $0xA000, s25, s24, $0x38;
	v6 =	vsub.f32 v6, v7;
	[tilespmem:$0x1F480] =	vst v63  }
.Ltmp4:
0xcb: {  	(pc) =	sbr.rel .LBB2_4-.Ltmp4, $4  }
0xcc: {  	_ = 	snop  }
0xcd: {  	_ =	swait.ge [sflag:s29], $0xA000  }
0xce: {  	s5 =	sadd.s32 $0x2000, s5;
	[sflag:s29] =	ssyncset.done $0x0  }
0xcf: {  	s10 =	sadd.s32 $0x500, s10;
	s30 =	sadd.s32 $0x50, s30;
	[sflag:s29] =	ssyncadd.s32 $0xFFFF6000  }
.LBB2_7:
0xd0: {  	_ =	sfence.sel $0x180000  }
0xd1: {  	[bflag:$0x0] =	sbarrier.arrive $0xFFFF  }
0xd2: {  	_ =	strace $0x90000047  }
0xd3: {  	s0 =	stileid.u32;
	[bflag:$0x2] =	sbarrier.arrive $0xFFFF  }
0xd4: {  	p0 =	sne.s32 s0, $0x0;
	s0 =	rddreg [dreg:$0x2]  }
0xd5: {  	s0 =	sadd.s32 @!p0 $0x100000, s0  }
0xd6: {  	[sflag:s0] =	ssyncadd.tile.s32 @!p0 $0x1;
	_ =	shalt  }
.Lfunc_end2:
_tile_overlayer_lowered:
.L_overlay_start_2:
0xd7: {  	(tag) =	ssettag $0x2  }
0xd8: {  	s0 =	rddreg [dreg:$0x0];
	s2 =	stileid.u32  }
0xd9: {  	s1 =	rddreg [dreg:$0x1];
	p0 =	sne.s32 s2, $0x0  }
0xda: {  	s3 =	rddreg [dreg:$0x2];
	[bflag:$0x3] =	sbarrier.arrive $0xFFFF;
	s2 =	simm.s32 @!p0 $0x1C05  }
0xdb: {  	[timem:s3], [sflag:s2] =	dma.local @!p0 [hbm:s0], s1  }
0xdc: {  	s0 =	simm.s32 @!p0 $0x5  }
0xdd: {  	_ =	swait.ge @!p0 [sflag:s0], s1  }
0xde: {  	s1 =	ssub.s32 @!p0 $0x0, s1;
	[sflag:s0] =	ssyncset.done @!p0 $0x0  }
0xdf: {  	[sflag:s0] =	ssyncadd.s32 @!p0 s1  }
0xe0: {  	[bflag:$0x3] =	sbarrier.arrive $0xFFFF  }
0xe1: {  	_ =	shalt  }

</sc_bundles>
